<compile_context>
chip_gen: v7x
topology: tpu7x:2x2x1
jax: 0.10.2.dev20260603
libtpu: 0.0.44.dev20260713+nightly
codegen_flags: <defaults>
</compile_context>

<pallas_src>
import functools

import jax
import jax.numpy as jnp
from jax import lax
from jax.experimental import pallas as pl
from jax.experimental.pallas import tpu as pltpu
from jax.experimental.pallas import tpu_sc as plsc

B = 16384
F = 26
FH = F // 2
NC = 2
NS = 16
NW = NC * NS
BPW = B // NW
NH = FH * BPW

_mesh = plsc.VectorSubcoreMesh(core_axis_name="c", subcore_axis_name="s")


@functools.partial(
    pl.kernel,
    out_type=jax.ShapeDtypeStruct((B,), jnp.float32),
    mesh=_mesh,
    scratch_types=[
        pltpu.VMEM((NH,), jnp.int32),
        pltpu.VMEM((NH,), jnp.int32),
        pltpu.VMEM((F, BPW), jnp.float32),
        pltpu.VMEM((NH,), jnp.float32),
        pltpu.VMEM((NH,), jnp.float32),
        pltpu.VMEM((BPW,), jnp.float32),
        pltpu.SemaphoreType.DMA,
        pltpu.SemaphoreType.DMA,
        pltpu.SemaphoreType.DMA,
    ],
)
def _sc_kernel(idx_hbm, vals_hbm, table_hbm, out_hbm,
               idxa_v, idxb_v, vals_v, ga_v, gb_v, acc_v,
               sem_s, sem_a, sem_b):
    wid = lax.axis_index("s") * NC + lax.axis_index("c")
    base = wid * BPW

    stage = [
        pltpu.async_copy(
            idx_hbm.at[f, pl.ds(base, BPW)],
            (idxa_v if f < FH else idxb_v).at[pl.ds((f % FH) * BPW, BPW)],
            sem_s,
        )
        for f in range(F)
    ]
    for cp in stage[:FH]:
        cp.wait()
    cpa = pltpu.async_copy(table_hbm.at[idxa_v], ga_v, sem_a)
    for cp in stage[FH:]:
        cp.wait()
    cpb = pltpu.async_copy(table_hbm.at[idxb_v], gb_v, sem_b)
    pltpu.sync_copy(vals_hbm.at[:, pl.ds(base, BPW)], vals_v)

    def _half(g_v, f0, first):
        def _body(i, carry):
            sl16 = pl.ds(i * 16, 16)
            acc = jnp.zeros((16,), jnp.float32) if first else acc_v[sl16]
            for fh in range(FH):
                acc = acc + (g_v[pl.ds(fh * BPW + i * 16, 16)]
                             * vals_v[f0 + fh, sl16])
            acc_v[sl16] = acc
            return carry

        lax.fori_loop(0, BPW // 16, _body, 0)

    cpa.wait()
    _half(ga_v, 0, True)
    cpb.wait()
    _half(gb_v, FH, False)

    pltpu.sync_copy(acc_v, out_hbm.at[pl.ds(base, BPW)])


def kernel(feature_idx, feature_values, table):
    idx_t = feature_idx.astype(jnp.int32).T
    vals_t = feature_values.T
    return _sc_kernel(idx_t, vals_t, table.reshape(-1))

# --- scband reference (transcript-rebuilt; emitter-appended) ---
"""Pipeline reference for scband-linear-layer-27238682591685 (READ-ONLY COPY).

The authoritative reference and input builder live on the scoring server;
editing this copy changes nothing except your own understanding.
"""

import jax, jax.numpy as jnp
import numpy as np

FEATURE_SIZE = 1000000
BATCH = 16384
FIELDS = 26

def setup_inputs(seed: int = 0) -> dict:
    key = jax.random.key(seed)
    k1, k2, k3 = jax.random.split(key, 3)
    feature_idx = jax.random.randint(k1, (BATCH, FIELDS), 0, FEATURE_SIZE, dtype=jnp.int64) if jax.config.jax_enable_x64 else jax.random.randint(k1, (BATCH, FIELDS), 0, FEATURE_SIZE, dtype=jnp.int32)
    feature_values = jax.random.uniform(k2, (BATCH, FIELDS), dtype=jnp.float32)
    # xavier_normal for Embedding(feature_size, 1): std = sqrt(2/(fan_in+fan_out)) = sqrt(2/(FEATURE_SIZE+1))
    std = float(np.sqrt(2.0 / (FEATURE_SIZE + 1)))
    table = jax.random.normal(k3, (FEATURE_SIZE, 1), dtype=jnp.float32) * std
    return {"feature_idx": feature_idx, "feature_values": feature_values, "table": table}

def reference(feature_idx, feature_values, table):
    # weights = self.linear(feature_idx)  -> gather from table
    weights = jnp.take(table, feature_idx, axis=0)  # (B, F, 1)
    weights = jnp.squeeze(weights, axis=-1)          # (B, F)
    weights = weights * feature_values
    return jnp.sum(weights, axis=1)                  # (B,)

if __name__ == "__main__":
    import jax
    _d = setup_inputs()
    print(jax.jit(kernel)(*tuple(_d.values())))

</pallas_src>

<mosaic_0001>
#map = affine_map<(d0, d1) -> (0, 0)>
#map1 = affine_map<(d0, d1) -> (0)>
module attributes {stable_mosaic.version = 14 : i64} {
  func.func @_sc_kernel(%arg0: i32, %arg1: i32, %arg2: memref<26x16384xi32, #tpu.memory_space<hbm>>, %arg3: memref<26x16384xf32, #tpu.memory_space<hbm>>, %arg4: memref<1000000xf32, #tpu.memory_space<hbm>>, %arg5: memref<16384xf32, #tpu.memory_space<hbm>>, %arg6: memref<6656xi32, #tpu.memory_space<vmem>>, %arg7: memref<6656xi32, #tpu.memory_space<vmem>>, %arg8: memref<26x512xf32, #tpu.memory_space<vmem>>, %arg9: memref<6656xf32, #tpu.memory_space<vmem>>, %arg10: memref<6656xf32, #tpu.memory_space<vmem>>, %arg11: memref<512xf32, #tpu.memory_space<vmem>>, %arg12: memref<!tpu.dma_semaphore, #tpu.memory_space<semaphore_mem>>, %arg13: memref<!tpu.dma_semaphore, #tpu.memory_space<semaphore_mem>>, %arg14: memref<!tpu.dma_semaphore, #tpu.memory_space<semaphore_mem>>) attributes {dimension_semantics = [#tpu.dimension_semantics<core_parallel>, #tpu.dimension_semantics<subcore_parallel>], iteration_bounds = array<i64: 2, 16>, scalar_prefetch = 0 : i64, scratch_operands = 9 : i64, tpu.core_type = #tpu.core_type<sc_vector_subcore>, window_params = [{transform_indices = #map}, {transform_indices = #map}, {transform_indices = #map1}, {transform_indices = #map1}]} {
    %mul3A = arith.constant 2 : i32
    %mul3A_0 = arith.muli %arg1, %mul3A : i32
    %add3A = arith.addi %mul3A_0, %arg0 : i32
    %mul3A_1 = arith.constant 512 : i32
    %mul3A_2 = arith.muli %add3A, %mul3A_1 : i32
    %dma_start3A = arith.constant 0 : i32
    %dma_start3A_3 = arith.constant 0 : i32
    %dma_start3A_4 = tpu.memref_slice %arg6[%dma_start3A_3] : memref<6656xi32, #tpu.memory_space<vmem>> -> memref<512xi32, #tpu.memory_space<vmem>>
    %dma_start3A_5 = tpu.memref_slice %arg2[%dma_start3A, %mul3A_2] : memref<26x16384xi32, #tpu.memory_space<hbm>> -> memref<1x512xi32, #tpu.memory_space<hbm>>
    %dma_start3A_6 = tpu.memref_squeeze %dma_start3A_5 : memref<1x512xi32, #tpu.memory_space<hbm>> -> memref<512xi32, #tpu.memory_space<hbm>>
    %dma_start3A_7 = arith.constant 0 : i32
    %dma_start3A_8 = tpu.memref_slice %arg6[%dma_start3A_7] : memref<6656xi32, #tpu.memory_space<vmem>> -> memref<512xi32, #tpu.memory_space<vmem>>
    %dma_start3A_9 = tpu.memref_slice %arg2[%dma_start3A, %mul3A_2] : memref<26x16384xi32, #tpu.memory_space<hbm>> -> memref<1x512xi32, #tpu.memory_space<hbm>>
    %dma_start3A_10 = tpu.memref_squeeze %dma_start3A_9 : memref<1x512xi32, #tpu.memory_space<hbm>> -> memref<512xi32, #tpu.memory_space<hbm>>
    tpu.enqueue_dma source(%dma_start3A_10 : memref<512xi32, #tpu.memory_space<hbm>>) target(%dma_start3A_8 : memref<512xi32, #tpu.memory_space<vmem>>) target_semaphore(%arg12 : memref<!tpu.dma_semaphore, #tpu.memory_space<semaphore_mem>>)
    %dma_start3A_11 = arith.constant 1 : i32
    %dma_start3A_12 = arith.constant 512 : i32
    %dma_start3A_13 = tpu.memref_slice %arg6[%dma_start3A_12] : memref<6656xi32, #tpu.memory_space<vmem>> -> memref<512xi32, #tpu.memory_space<vmem>>
    %dma_start3A_14 = tpu.memref_slice %arg2[%dma_start3A_11, %mul3A_2] : memref<26x16384xi32, #tpu.memory_space<hbm>> -> memref<1x512xi32, #tpu.memory_space<hbm>>
    %dma_start3A_15 = tpu.memref_squeeze %dma_start3A_14 : memref<1x512xi32, #tpu.memory_space<hbm>> -> memref<512xi32, #tpu.memory_space<hbm>>
    %dma_start3A_16 = arith.constant 512 : i32
    %dma_start3A_17 = tpu.memref_slice %arg6[%dma_start3A_16] : memref<6656xi32, #tpu.memory_space<vmem>> -> memref<512xi32, #tpu.memory_space<vmem>>
    %dma_start3A_18 = tpu.memref_slice %arg2[%dma_start3A_11, %mul3A_2] : memref<26x16384xi32, #tpu.memory_space<hbm>> -> memref<1x512xi32, #tpu.memory_space<hbm>>
    %dma_start3A_19 = tpu.memref_squeeze %dma_start3A_18 : memref<1x512xi32, #tpu.memory_space<hbm>> -> memref<512xi32, #tpu.memory_space<hbm>>
    tpu.enqueue_dma source(%dma_start3A_19 : memref<512xi32, #tpu.memory_space<hbm>>) target(%dma_start3A_17 : memref<512xi32, #tpu.memory_space<vmem>>) target_semaphore(%arg12 : memref<!tpu.dma_semaphore, #tpu.memory_space<semaphore_mem>>)
    %dma_start3A_20 = arith.constant 2 : i32
    %dma_start3A_21 = arith.constant 1024 : i32
    %dma_start3A_22 = tpu.memref_slice %arg6[%dma_start3A_21] : memref<6656xi32, #tpu.memory_space<vmem>> -> memref<512xi32, #tpu.memory_space<vmem>>
    %dma_start3A_23 = tpu.memref_slice %arg2[%dma_start3A_20, %mul3A_2] : memref<26x16384xi32, #tpu.memory_space<hbm>> -> memref<1x512xi32, #tpu.memory_space<hbm>>
    %dma_start3A_24 = tpu.memref_squeeze %dma_start3A_23 : memref<1x512xi32, #tpu.memory_space<hbm>> -> memref<512xi32, #tpu.memory_space<hbm>>
    %dma_start3A_25 = arith.constant 1024 : i32
    %dma_start3A_26 = tpu.memref_slice %arg6[%dma_start3A_25] : memref<6656xi32, #tpu.memory_space<vmem>> -> memref<512xi32, #tpu.memory_space<vmem>>
    %dma_start3A_27 = tpu.memref_slice %arg2[%dma_start3A_20, %mul3A_2] : memref<26x16384xi32, #tpu.memory_space<hbm>> -> memref<1x512xi32, #tpu.memory_space<hbm>>
    %dma_start3A_28 = tpu.memref_squeeze %dma_start3A_27 : memref<1x512xi32, #tpu.memory_space<hbm>> -> memref<512xi32, #tpu.memory_space<hbm>>
    tpu.enqueue_dma source(%dma_start3A_28 : memref<512xi32, #tpu.memory_space<hbm>>) target(%dma_start3A_26 : memref<512xi32, #tpu.memory_space<vmem>>) target_semaphore(%arg12 : memref<!tpu.dma_semaphore, #tpu.memory_space<semaphore_mem>>)
    %dma_start3A_29 = arith.constant 3 : i32
    %dma_start3A_30 = arith.constant 1536 : i32
    %dma_start3A_31 = tpu.memref_slice %arg6[%dma_start3A_30] : memref<6656xi32, #tpu.memory_space<vmem>> -> memref<512xi32, #tpu.memory_space<vmem>>
    %dma_start3A_32 = tpu.memref_slice %arg2[%dma_start3A_29, %mul3A_2] : memref<26x16384xi32, #tpu.memory_space<hbm>> -> memref<1x512xi32, #tpu.memory_space<hbm>>
    %dma_start3A_33 = tpu.memref_squeeze %dma_start3A_32 : memref<1x512xi32, #tpu.memory_space<hbm>> -> memref<512xi32, #tpu.memory_space<hbm>>
    %dma_start3A_34 = arith.constant 1536 : i32
    %dma_start3A_35 = tpu.memref_slice %arg6[%dma_start3A_34] : memref<6656xi32, #tpu.memory_space<vmem>> -> memref<512xi32, #tpu.memory_space<vmem>>
    %dma_start3A_36 = tpu.memref_slice %arg2[%dma_start3A_29, %mul3A_2] : memref<26x16384xi32, #tpu.memory_space<hbm>> -> memref<1x512xi32, #tpu.memory_space<hbm>>
    %dma_start3A_37 = tpu.memref_squeeze %dma_start3A_36 : memref<1x512xi32, #tpu.memory_space<hbm>> -> memref<512xi32, #tpu.memory_space<hbm>>
    tpu.enqueue_dma source(%dma_start3A_37 : memref<512xi32, #tpu.memory_space<hbm>>) target(%dma_start3A_35 : memref<512xi32, #tpu.memory_space<vmem>>) target_semaphore(%arg12 : memref<!tpu.dma_semaphore, #tpu.memory_space<semaphore_mem>>)
    %dma_start3A_38 = arith.constant 4 : i32
    %dma_start3A_39 = arith.constant 2048 : i32
    %dma_start3A_40 = tpu.memref_slice %arg6[%dma_start3A_39] : memref<6656xi32, #tpu.memory_space<vmem>> -> memref<512xi32, #tpu.memory_space<vmem>>
    %dma_start3A_41 = tpu.memref_slice %arg2[%dma_start3A_38, %mul3A_2] : memref<26x16384xi32, #tpu.memory_space<hbm>> -> memref<1x512xi32, #tpu.memory_space<hbm>>
    %dma_start3A_42 = tpu.memref_squeeze %dma_start3A_41 : memref<1x512xi32, #tpu.memory_space<hbm>> -> memref<512xi32, #tpu.memory_space<hbm>>
    %dma_start3A_43 = arith.constant 2048 : i32
    %dma_start3A_44 = tpu.memref_slice %arg6[%dma_start3A_43] : memref<6656xi32, #tpu.memory_space<vmem>> -> memref<512xi32, #tpu.memory_space<vmem>>
    %dma_start3A_45 = tpu.memref_slice %arg2[%dma_start3A_38, %mul3A_2] : memref<26x16384xi32, #tpu.memory_space<hbm>> -> memref<1x512xi32, #tpu.memory_space<hbm>>
    %dma_start3A_46 = tpu.memref_squeeze %dma_start3A_45 : memref<1x512xi32, #tpu.memory_space<hbm>> -> memref<512xi32, #tpu.memory_space<hbm>>
    tpu.enqueue_dma source(%dma_start3A_46 : memref<512xi32, #tpu.memory_space<hbm>>) target(%dma_start3A_44 : memref<512xi32, #tpu.memory_space<vmem>>) target_semaphore(%arg12 : memref<!tpu.dma_semaphore, #tpu.memory_space<semaphore_mem>>)
    %dma_start3A_47 = arith.constant 5 : i32
    %dma_start3A_48 = arith.constant 2560 : i32
    %dma_start3A_49 = tpu.memref_slice %arg6[%dma_start3A_48] : memref<6656xi32, #tpu.memory_space<vmem>> -> memref<512xi32, #tpu.memory_space<vmem>>
    %dma_start3A_50 = tpu.memref_slice %arg2[%dma_start3A_47, %mul3A_2] : memref<26x16384xi32, #tpu.memory_space<hbm>> -> memref<1x512xi32, #tpu.memory_space<hbm>>
    %dma_start3A_51 = tpu.memref_squeeze %dma_start3A_50 : memref<1x512xi32, #tpu.memory_space<hbm>> -> memref<512xi32, #tpu.memory_space<hbm>>
    %dma_start3A_52 = arith.constant 2560 : i32
    %dma_start3A_53 = tpu.memref_slice %arg6[%dma_start3A_52] : memref<6656xi32, #tpu.memory_space<vmem>> -> memref<512xi32, #tpu.memory_space<vmem>>
    %dma_start3A_54 = tpu.memref_slice %arg2[%dma_start3A_47, %mul3A_2] : memref<26x16384xi32, #tpu.memory_space<hbm>> -> memref<1x512xi32, #tpu.memory_space<hbm>>
    %dma_start3A_55 = tpu.memref_squeeze %dma_start3A_54 : memref<1x512xi32, #tpu.memory_space<hbm>> -> memref<512xi32, #tpu.memory_space<hbm>>
    tpu.enqueue_dma source(%dma_start3A_55 : memref<512xi32, #tpu.memory_space<hbm>>) target(%dma_start3A_53 : memref<512xi32, #tpu.memory_space<vmem>>) target_semaphore(%arg12 : memref<!tpu.dma_semaphore, #tpu.memory_space<semaphore_mem>>)
    %dma_start3A_56 = arith.constant 6 : i32
    %dma_start3A_57 = arith.constant 3072 : i32
    %dma_start3A_58 = tpu.memref_slice %arg6[%dma_start3A_57] : memref<6656xi32, #tpu.memory_space<vmem>> -> memref<512xi32, #tpu.memory_space<vmem>>
    %dma_start3A_59 = tpu.memref_slice %arg2[%dma_start3A_56, %mul3A_2] : memref<26x16384xi32, #tpu.memory_space<hbm>> -> memref<1x512xi32, #tpu.memory_space<hbm>>
    %dma_start3A_60 = tpu.memref_squeeze %dma_start3A_59 : memref<1x512xi32, #tpu.memory_space<hbm>> -> memref<512xi32, #tpu.memory_space<hbm>>
    %dma_start3A_61 = arith.constant 3072 : i32
    %dma_start3A_62 = tpu.memref_slice %arg6[%dma_start3A_61] : memref<6656xi32, #tpu.memory_space<vmem>> -> memref<512xi32, #tpu.memory_space<vmem>>
    %dma_start3A_63 = tpu.memref_slice %arg2[%dma_start3A_56, %mul3A_2] : memref<26x16384xi32, #tpu.memory_space<hbm>> -> memref<1x512xi32, #tpu.memory_space<hbm>>
    %dma_start3A_64 = tpu.memref_squeeze %dma_start3A_63 : memref<1x512xi32, #tpu.memory_space<hbm>> -> memref<512xi32, #tpu.memory_space<hbm>>
    tpu.enqueue_dma source(%dma_start3A_64 : memref<512xi32, #tpu.memory_space<hbm>>) target(%dma_start3A_62 : memref<512xi32, #tpu.memory_space<vmem>>) target_semaphore(%arg12 : memref<!tpu.dma_semaphore, #tpu.memory_space<semaphore_mem>>)
    %dma_start3A_65 = arith.constant 7 : i32
    %dma_start3A_66 = arith.constant 3584 : i32
    %dma_start3A_67 = tpu.memref_slice %arg6[%dma_start3A_66] : memref<6656xi32, #tpu.memory_space<vmem>> -> memref<512xi32, #tpu.memory_space<vmem>>
    %dma_start3A_68 = tpu.memref_slice %arg2[%dma_start3A_65, %mul3A_2] : memref<26x16384xi32, #tpu.memory_space<hbm>> -> memref<1x512xi32, #tpu.memory_space<hbm>>
    %dma_start3A_69 = tpu.memref_squeeze %dma_start3A_68 : memref<1x512xi32, #tpu.memory_space<hbm>> -> memref<512xi32, #tpu.memory_space<hbm>>
    %dma_start3A_70 = arith.constant 3584 : i32
    %dma_start3A_71 = tpu.memref_slice %arg6[%dma_start3A_70] : memref<6656xi32, #tpu.memory_space<vmem>> -> memref<512xi32, #tpu.memory_space<vmem>>
    %dma_start3A_72 = tpu.memref_slice %arg2[%dma_start3A_65, %mul3A_2] : memref<26x16384xi32, #tpu.memory_space<hbm>> -> memref<1x512xi32, #tpu.memory_space<hbm>>
    %dma_start3A_73 = tpu.memref_squeeze %dma_start3A_72 : memref<1x512xi32, #tpu.memory_space<hbm>> -> memref<512xi32, #tpu.memory_space<hbm>>
    tpu.enqueue_dma source(%dma_start3A_73 : memref<512xi32, #tpu.memory_space<hbm>>) target(%dma_start3A_71 : memref<512xi32, #tpu.memory_space<vmem>>) target_semaphore(%arg12 : memref<!tpu.dma_semaphore, #tpu.memory_space<semaphore_mem>>)
    %dma_start3A_74 = arith.constant 8 : i32
    %dma_start3A_75 = arith.constant 4096 : i32
    %dma_start3A_76 = tpu.memref_slice %arg6[%dma_start3A_75] : memref<6656xi32, #tpu.memory_space<vmem>> -> memref<512xi32, #tpu.memory_space<vmem>>
    %dma_start3A_77 = tpu.memref_slice %arg2[%dma_start3A_74, %mul3A_2] : memref<26x16384xi32, #tpu.memory_space<hbm>> -> memref<1x512xi32, #tpu.memory_space<hbm>>
    %dma_start3A_78 = tpu.memref_squeeze %dma_start3A_77 : memref<1x512xi32, #tpu.memory_space<hbm>> -> memref<512xi32, #tpu.memory_space<hbm>>
    %dma_start3A_79 = arith.constant 4096 : i32
    %dma_start3A_80 = tpu.memref_slice %arg6[%dma_start3A_79] : memref<6656xi32, #tpu.memory_space<vmem>> -> memref<512xi32, #tpu.memory_space<vmem>>
    %dma_start3A_81 = tpu.memref_slice %arg2[%dma_start3A_74, %mul3A_2] : memref<26x16384xi32, #tpu.memory_space<hbm>> -> memref<1x512xi32, #tpu.memory_space<hbm>>
    %dma_start3A_82 = tpu.memref_squeeze %dma_start3A_81 : memref<1x512xi32, #tpu.memory_space<hbm>> -> memref<512xi32, #tpu.memory_space<hbm>>
    tpu.enqueue_dma source(%dma_start3A_82 : memref<512xi32, #tpu.memory_space<hbm>>) target(%dma_start3A_80 : memref<512xi32, #tpu.memory_space<vmem>>) target_semaphore(%arg12 : memref<!tpu.dma_semaphore, #tpu.memory_space<semaphore_mem>>)
    %dma_start3A_83 = arith.constant 9 : i32
    %dma_start3A_84 = arith.constant 4608 : i32
    %dma_start3A_85 = tpu.memref_slice %arg6[%dma_start3A_84] : memref<6656xi32, #tpu.memory_space<vmem>> -> memref<512xi32, #tpu.memory_space<vmem>>
    %dma_start3A_86 = tpu.memref_slice %arg2[%dma_start3A_83, %mul3A_2] : memref<26x16384xi32, #tpu.memory_space<hbm>> -> memref<1x512xi32, #tpu.memory_space<hbm>>
    %dma_start3A_87 = tpu.memref_squeeze %dma_start3A_86 : memref<1x512xi32, #tpu.memory_space<hbm>> -> memref<512xi32, #tpu.memory_space<hbm>>
    %dma_start3A_88 = arith.constant 4608 : i32
    %dma_start3A_89 = tpu.memref_slice %arg6[%dma_start3A_88] : memref<6656xi32, #tpu.memory_space<vmem>> -> memref<512xi32, #tpu.memory_space<vmem>>
    %dma_start3A_90 = tpu.memref_slice %arg2[%dma_start3A_83, %mul3A_2] : memref<26x16384xi32, #tpu.memory_space<hbm>> -> memref<1x512xi32, #tpu.memory_space<hbm>>
    %dma_start3A_91 = tpu.memref_squeeze %dma_start3A_90 : memref<1x512xi32, #tpu.memory_space<hbm>> -> memref<512xi32, #tpu.memory_space<hbm>>
    tpu.enqueue_dma source(%dma_start3A_91 : memref<512xi32, #tpu.memory_space<hbm>>) target(%dma_start3A_89 : memref<512xi32, #tpu.memory_space<vmem>>) target_semaphore(%arg12 : memref<!tpu.dma_semaphore, #tpu.memory_space<semaphore_mem>>)
    %dma_start3A_92 = arith.constant 10 : i32
    %dma_start3A_93 = arith.constant 5120 : i32
    %dma_start3A_94 = tpu.memref_slice %arg6[%dma_start3A_93] : memref<6656xi32, #tpu.memory_space<vmem>> -> memref<512xi32, #tpu.memory_space<vmem>>
    %dma_start3A_95 = tpu.memref_slice %arg2[%dma_start3A_92, %mul3A_2] : memref<26x16384xi32, #tpu.memory_space<hbm>> -> memref<1x512xi32, #tpu.memory_space<hbm>>
    %dma_start3A_96 = tpu.memref_squeeze %dma_start3A_95 : memref<1x512xi32, #tpu.memory_space<hbm>> -> memref<512xi32, #tpu.memory_space<hbm>>
    %dma_start3A_97 = arith.constant 5120 : i32
    %dma_start3A_98 = tpu.memref_slice %arg6[%dma_start3A_97] : memref<6656xi32, #tpu.memory_space<vmem>> -> memref<512xi32, #tpu.memory_space<vmem>>
    %dma_start3A_99 = tpu.memref_slice %arg2[%dma_start3A_92, %mul3A_2] : memref<26x16384xi32, #tpu.memory_space<hbm>> -> memref<1x512xi32, #tpu.memory_space<hbm>>
    %dma_start3A_100 = tpu.memref_squeeze %dma_start3A_99 : memref<1x512xi32, #tpu.memory_space<hbm>> -> memref<512xi32, #tpu.memory_space<hbm>>
    tpu.enqueue_dma source(%dma_start3A_100 : memref<512xi32, #tpu.memory_space<hbm>>) target(%dma_start3A_98 : memref<512xi32, #tpu.memory_space<vmem>>) target_semaphore(%arg12 : memref<!tpu.dma_semaphore, #tpu.memory_space<semaphore_mem>>)
    %dma_start3A_101 = arith.constant 11 : i32
    %dma_start3A_102 = arith.constant 5632 : i32
    %dma_start3A_103 = tpu.memref_slice %arg6[%dma_start3A_102] : memref<6656xi32, #tpu.memory_space<vmem>> -> memref<512xi32, #tpu.memory_space<vmem>>
    %dma_start3A_104 = tpu.memref_slice %arg2[%dma_start3A_101, %mul3A_2] : memref<26x16384xi32, #tpu.memory_space<hbm>> -> memref<1x512xi32, #tpu.memory_space<hbm>>
    %dma_start3A_105 = tpu.memref_squeeze %dma_start3A_104 : memref<1x512xi32, #tpu.memory_space<hbm>> -> memref<512xi32, #tpu.memory_space<hbm>>
    %dma_start3A_106 = arith.constant 5632 : i32
    %dma_start3A_107 = tpu.memref_slice %arg6[%dma_start3A_106] : memref<6656xi32, #tpu.memory_space<vmem>> -> memref<512xi32, #tpu.memory_space<vmem>>
    %dma_start3A_108 = tpu.memref_slice %arg2[%dma_start3A_101, %mul3A_2] : memref<26x16384xi32, #tpu.memory_space<hbm>> -> memref<1x512xi32, #tpu.memory_space<hbm>>
    %dma_start3A_109 = tpu.memref_squeeze %dma_start3A_108 : memref<1x512xi32, #tpu.memory_space<hbm>> -> memref<512xi32, #tpu.memory_space<hbm>>
    tpu.enqueue_dma source(%dma_start3A_109 : memref<512xi32, #tpu.memory_space<hbm>>) target(%dma_start3A_107 : memref<512xi32, #tpu.memory_space<vmem>>) target_semaphore(%arg12 : memref<!tpu.dma_semaphore, #tpu.memory_space<semaphore_mem>>)
    %dma_start3A_110 = arith.constant 12 : i32
    %dma_start3A_111 = arith.constant 6144 : i32
    %dma_start3A_112 = tpu.memref_slice %arg6[%dma_start3A_111] : memref<6656xi32, #tpu.memory_space<vmem>> -> memref<512xi32, #tpu.memory_space<vmem>>
    %dma_start3A_113 = tpu.memref_slice %arg2[%dma_start3A_110, %mul3A_2] : memref<26x16384xi32, #tpu.memory_space<hbm>> -> memref<1x512xi32, #tpu.memory_space<hbm>>
    %dma_start3A_114 = tpu.memref_squeeze %dma_start3A_113 : memref<1x512xi32, #tpu.memory_space<hbm>> -> memref<512xi32, #tpu.memory_space<hbm>>
    %dma_start3A_115 = arith.constant 6144 : i32
    %dma_start3A_116 = tpu.memref_slice %arg6[%dma_start3A_115] : memref<6656xi32, #tpu.memory_space<vmem>> -> memref<512xi32, #tpu.memory_space<vmem>>
    %dma_start3A_117 = tpu.memref_slice %arg2[%dma_start3A_110, %mul3A_2] : memref<26x16384xi32, #tpu.memory_space<hbm>> -> memref<1x512xi32, #tpu.memory_space<hbm>>
    %dma_start3A_118 = tpu.memref_squeeze %dma_start3A_117 : memref<1x512xi32, #tpu.memory_space<hbm>> -> memref<512xi32, #tpu.memory_space<hbm>>
    tpu.enqueue_dma source(%dma_start3A_118 : memref<512xi32, #tpu.memory_space<hbm>>) target(%dma_start3A_116 : memref<512xi32, #tpu.memory_space<vmem>>) target_semaphore(%arg12 : memref<!tpu.dma_semaphore, #tpu.memory_space<semaphore_mem>>)
    %dma_start3A_119 = arith.constant 13 : i32
    %dma_start3A_120 = arith.constant 0 : i32
    %dma_start3A_121 = tpu.memref_slice %arg7[%dma_start3A_120] : memref<6656xi32, #tpu.memory_space<vmem>> -> memref<512xi32, #tpu.memory_space<vmem>>
    %dma_start3A_122 = tpu.memref_slice %arg2[%dma_start3A_119, %mul3A_2] : memref<26x16384xi32, #tpu.memory_space<hbm>> -> memref<1x512xi32, #tpu.memory_space<hbm>>
    %dma_start3A_123 = tpu.memref_squeeze %dma_start3A_122 : memref<1x512xi32, #tpu.memory_space<hbm>> -> memref<512xi32, #tpu.memory_space<hbm>>
    %dma_start3A_124 = arith.constant 0 : i32
    %dma_start3A_125 = tpu.memref_slice %arg7[%dma_start3A_124] : memref<6656xi32, #tpu.memory_space<vmem>> -> memref<512xi32, #tpu.memory_space<vmem>>
    %dma_start3A_126 = tpu.memref_slice %arg2[%dma_start3A_119, %mul3A_2] : memref<26x16384xi32, #tpu.memory_space<hbm>> -> memref<1x512xi32, #tpu.memory_space<hbm>>
    %dma_start3A_127 = tpu.memref_squeeze %dma_start3A_126 : memref<1x512xi32, #tpu.memory_space<hbm>> -> memref<512xi32, #tpu.memory_space<hbm>>
    tpu.enqueue_dma source(%dma_start3A_127 : memref<512xi32, #tpu.memory_space<hbm>>) target(%dma_start3A_125 : memref<512xi32, #tpu.memory_space<vmem>>) target_semaphore(%arg12 : memref<!tpu.dma_semaphore, #tpu.memory_space<semaphore_mem>>)
    %dma_start3A_128 = arith.constant 14 : i32
    %dma_start3A_129 = arith.constant 512 : i32
    %dma_start3A_130 = tpu.memref_slice %arg7[%dma_start3A_129] : memref<6656xi32, #tpu.memory_space<vmem>> -> memref<512xi32, #tpu.memory_space<vmem>>
    %dma_start3A_131 = tpu.memref_slice %arg2[%dma_start3A_128, %mul3A_2] : memref<26x16384xi32, #tpu.memory_space<hbm>> -> memref<1x512xi32, #tpu.memory_space<hbm>>
    %dma_start3A_132 = tpu.memref_squeeze %dma_start3A_131 : memref<1x512xi32, #tpu.memory_space<hbm>> -> memref<512xi32, #tpu.memory_space<hbm>>
    %dma_start3A_133 = arith.constant 512 : i32
    %dma_start3A_134 = tpu.memref_slice %arg7[%dma_start3A_133] : memref<6656xi32, #tpu.memory_space<vmem>> -> memref<512xi32, #tpu.memory_space<vmem>>
    %dma_start3A_135 = tpu.memref_slice %arg2[%dma_start3A_128, %mul3A_2] : memref<26x16384xi32, #tpu.memory_space<hbm>> -> memref<1x512xi32, #tpu.memory_space<hbm>>
    %dma_start3A_136 = tpu.memref_squeeze %dma_start3A_135 : memref<1x512xi32, #tpu.memory_space<hbm>> -> memref<512xi32, #tpu.memory_space<hbm>>
    tpu.enqueue_dma source(%dma_start3A_136 : memref<512xi32, #tpu.memory_space<hbm>>) target(%dma_start3A_134 : memref<512xi32, #tpu.memory_space<vmem>>) target_semaphore(%arg12 : memref<!tpu.dma_semaphore, #tpu.memory_space<semaphore_mem>>)
    %dma_start3A_137 = arith.constant 15 : i32
    %dma_start3A_138 = arith.constant 1024 : i32
    %dma_start3A_139 = tpu.memref_slice %arg7[%dma_start3A_138] : memref<6656xi32, #tpu.memory_space<vmem>> -> memref<512xi32, #tpu.memory_space<vmem>>
    %dma_start3A_140 = tpu.memref_slice %arg2[%dma_start3A_137, %mul3A_2] : memref<26x16384xi32, #tpu.memory_space<hbm>> -> memref<1x512xi32, #tpu.memory_space<hbm>>
    %dma_start3A_141 = tpu.memref_squeeze %dma_start3A_140 : memref<1x512xi32, #tpu.memory_space<hbm>> -> memref<512xi32, #tpu.memory_space<hbm>>
    %dma_start3A_142 = arith.constant 1024 : i32
    %dma_start3A_143 = tpu.memref_slice %arg7[%dma_start3A_142] : memref<6656xi32, #tpu.memory_space<vmem>> -> memref<512xi32, #tpu.memory_space<vmem>>
    %dma_start3A_144 = tpu.memref_slice %arg2[%dma_start3A_137, %mul3A_2] : memref<26x16384xi32, #tpu.memory_space<hbm>> -> memref<1x512xi32, #tpu.memory_space<hbm>>
    %dma_start3A_145 = tpu.memref_squeeze %dma_start3A_144 : memref<1x512xi32, #tpu.memory_space<hbm>> -> memref<512xi32, #tpu.memory_space<hbm>>
    tpu.enqueue_dma source(%dma_start3A_145 : memref<512xi32, #tpu.memory_space<hbm>>) target(%dma_start3A_143 : memref<512xi32, #tpu.memory_space<vmem>>) target_semaphore(%arg12 : memref<!tpu.dma_semaphore, #tpu.memory_space<semaphore_mem>>)
    %dma_start3A_146 = arith.constant 16 : i32
    %dma_start3A_147 = arith.constant 1536 : i32
    %dma_start3A_148 = tpu.memref_slice %arg7[%dma_start3A_147] : memref<6656xi32, #tpu.memory_space<vmem>> -> memref<512xi32, #tpu.memory_space<vmem>>
    %dma_start3A_149 = tpu.memref_slice %arg2[%dma_start3A_146, %mul3A_2] : memref<26x16384xi32, #tpu.memory_space<hbm>> -> memref<1x512xi32, #tpu.memory_space<hbm>>
    %dma_start3A_150 = tpu.memref_squeeze %dma_start3A_149 : memref<1x512xi32, #tpu.memory_space<hbm>> -> memref<512xi32, #tpu.memory_space<hbm>>
    %dma_start3A_151 = arith.constant 1536 : i32
    %dma_start3A_152 = tpu.memref_slice %arg7[%dma_start3A_151] : memref<6656xi32, #tpu.memory_space<vmem>> -> memref<512xi32, #tpu.memory_space<vmem>>
    %dma_start3A_153 = tpu.memref_slice %arg2[%dma_start3A_146, %mul3A_2] : memref<26x16384xi32, #tpu.memory_space<hbm>> -> memref<1x512xi32, #tpu.memory_space<hbm>>
    %dma_start3A_154 = tpu.memref_squeeze %dma_start3A_153 : memref<1x512xi32, #tpu.memory_space<hbm>> -> memref<512xi32, #tpu.memory_space<hbm>>
    tpu.enqueue_dma source(%dma_start3A_154 : memref<512xi32, #tpu.memory_space<hbm>>) target(%dma_start3A_152 : memref<512xi32, #tpu.memory_space<vmem>>) target_semaphore(%arg12 : memref<!tpu.dma_semaphore, #tpu.memory_space<semaphore_mem>>)
    %dma_start3A_155 = arith.constant 17 : i32
    %dma_start3A_156 = arith.constant 2048 : i32
    %dma_start3A_157 = tpu.memref_slice %arg7[%dma_start3A_156] : memref<6656xi32, #tpu.memory_space<vmem>> -> memref<512xi32, #tpu.memory_space<vmem>>
    %dma_start3A_158 = tpu.memref_slice %arg2[%dma_start3A_155, %mul3A_2] : memref<26x16384xi32, #tpu.memory_space<hbm>> -> memref<1x512xi32, #tpu.memory_space<hbm>>
    %dma_start3A_159 = tpu.memref_squeeze %dma_start3A_158 : memref<1x512xi32, #tpu.memory_space<hbm>> -> memref<512xi32, #tpu.memory_space<hbm>>
    %dma_start3A_160 = arith.constant 2048 : i32
    %dma_start3A_161 = tpu.memref_slice %arg7[%dma_start3A_160] : memref<6656xi32, #tpu.memory_space<vmem>> -> memref<512xi32, #tpu.memory_space<vmem>>
    %dma_start3A_162 = tpu.memref_slice %arg2[%dma_start3A_155, %mul3A_2] : memref<26x16384xi32, #tpu.memory_space<hbm>> -> memref<1x512xi32, #tpu.memory_space<hbm>>
    %dma_start3A_163 = tpu.memref_squeeze %dma_start3A_162 : memref<1x512xi32, #tpu.memory_space<hbm>> -> memref<512xi32, #tpu.memory_space<hbm>>
    tpu.enqueue_dma source(%dma_start3A_163 : memref<512xi32, #tpu.memory_space<hbm>>) target(%dma_start3A_161 : memref<512xi32, #tpu.memory_space<vmem>>) target_semaphore(%arg12 : memref<!tpu.dma_semaphore, #tpu.memory_space<semaphore_mem>>)
    %dma_start3A_164 = arith.constant 18 : i32
    %dma_start3A_165 = arith.constant 2560 : i32
    %dma_start3A_166 = tpu.memref_slice %arg7[%dma_start3A_165] : memref<6656xi32, #tpu.memory_space<vmem>> -> memref<512xi32, #tpu.memory_space<vmem>>
    %dma_start3A_167 = tpu.memref_slice %arg2[%dma_start3A_164, %mul3A_2] : memref<26x16384xi32, #tpu.memory_space<hbm>> -> memref<1x512xi32, #tpu.memory_space<hbm>>
    %dma_start3A_168 = tpu.memref_squeeze %dma_start3A_167 : memref<1x512xi32, #tpu.memory_space<hbm>> -> memref<512xi32, #tpu.memory_space<hbm>>
    %dma_start3A_169 = arith.constant 2560 : i32
    %dma_start3A_170 = tpu.memref_slice %arg7[%dma_start3A_169] : memref<6656xi32, #tpu.memory_space<vmem>> -> memref<512xi32, #tpu.memory_space<vmem>>
    %dma_start3A_171 = tpu.memref_slice %arg2[%dma_start3A_164, %mul3A_2] : memref<26x16384xi32, #tpu.memory_space<hbm>> -> memref<1x512xi32, #tpu.memory_space<hbm>>
    %dma_start3A_172 = tpu.memref_squeeze %dma_start3A_171 : memref<1x512xi32, #tpu.memory_space<hbm>> -> memref<512xi32, #tpu.memory_space<hbm>>
    tpu.enqueue_dma source(%dma_start3A_172 : memref<512xi32, #tpu.memory_space<hbm>>) target(%dma_start3A_170 : memref<512xi32, #tpu.memory_space<vmem>>) target_semaphore(%arg12 : memref<!tpu.dma_semaphore, #tpu.memory_space<semaphore_mem>>)
    %dma_start3A_173 = arith.constant 19 : i32
    %dma_start3A_174 = arith.constant 3072 : i32
    %dma_start3A_175 = tpu.memref_slice %arg7[%dma_start3A_174] : memref<6656xi32, #tpu.memory_space<vmem>> -> memref<512xi32, #tpu.memory_space<vmem>>
    %dma_start3A_176 = tpu.memref_slice %arg2[%dma_start3A_173, %mul3A_2] : memref<26x16384xi32, #tpu.memory_space<hbm>> -> memref<1x512xi32, #tpu.memory_space<hbm>>
    %dma_start3A_177 = tpu.memref_squeeze %dma_start3A_176 : memref<1x512xi32, #tpu.memory_space<hbm>> -> memref<512xi32, #tpu.memory_space<hbm>>
    %dma_start3A_178 = arith.constant 3072 : i32
    %dma_start3A_179 = tpu.memref_slice %arg7[%dma_start3A_178] : memref<6656xi32, #tpu.memory_space<vmem>> -> memref<512xi32, #tpu.memory_space<vmem>>
    %dma_start3A_180 = tpu.memref_slice %arg2[%dma_start3A_173, %mul3A_2] : memref<26x16384xi32, #tpu.memory_space<hbm>> -> memref<1x512xi32, #tpu.memory_space<hbm>>
    %dma_start3A_181 = tpu.memref_squeeze %dma_start3A_180 : memref<1x512xi32, #tpu.memory_space<hbm>> -> memref<512xi32, #tpu.memory_space<hbm>>
    tpu.enqueue_dma source(%dma_start3A_181 : memref<512xi32, #tpu.memory_space<hbm>>) target(%dma_start3A_179 : memref<512xi32, #tpu.memory_space<vmem>>) target_semaphore(%arg12 : memref<!tpu.dma_semaphore, #tpu.memory_space<semaphore_mem>>)
    %dma_start3A_182 = arith.constant 20 : i32
    %dma_start3A_183 = arith.constant 3584 : i32
    %dma_start3A_184 = tpu.memref_slice %arg7[%dma_start3A_183] : memref<6656xi32, #tpu.memory_space<vmem>> -> memref<512xi32, #tpu.memory_space<vmem>>
    %dma_start3A_185 = tpu.memref_slice %arg2[%dma_start3A_182, %mul3A_2] : memref<26x16384xi32, #tpu.memory_space<hbm>> -> memref<1x512xi32, #tpu.memory_space<hbm>>
    %dma_start3A_186 = tpu.memref_squeeze %dma_start3A_185 : memref<1x512xi32, #tpu.memory_space<hbm>> -> memref<512xi32, #tpu.memory_space<hbm>>
    %dma_start3A_187 = arith.constant 3584 : i32
    %dma_start3A_188 = tpu.memref_slice %arg7[%dma_start3A_187] : memref<6656xi32, #tpu.memory_space<vmem>> -> memref<512xi32, #tpu.memory_space<vmem>>
    %dma_start3A_189 = tpu.memref_slice %arg2[%dma_start3A_182, %mul3A_2] : memref<26x16384xi32, #tpu.memory_space<hbm>> -> memref<1x512xi32, #tpu.memory_space<hbm>>
    %dma_start3A_190 = tpu.memref_squeeze %dma_start3A_189 : memref<1x512xi32, #tpu.memory_space<hbm>> -> memref<512xi32, #tpu.memory_space<hbm>>
    tpu.enqueue_dma source(%dma_start3A_190 : memref<512xi32, #tpu.memory_space<hbm>>) target(%dma_start3A_188 : memref<512xi32, #tpu.memory_space<vmem>>) target_semaphore(%arg12 : memref<!tpu.dma_semaphore, #tpu.memory_space<semaphore_mem>>)
    %dma_start3A_191 = arith.constant 21 : i32
    %dma_start3A_192 = arith.constant 4096 : i32
    %dma_start3A_193 = tpu.memref_slice %arg7[%dma_start3A_192] : memref<6656xi32, #tpu.memory_space<vmem>> -> memref<512xi32, #tpu.memory_space<vmem>>
    %dma_start3A_194 = tpu.memref_slice %arg2[%dma_start3A_191, %mul3A_2] : memref<26x16384xi32, #tpu.memory_space<hbm>> -> memref<1x512xi32, #tpu.memory_space<hbm>>
    %dma_start3A_195 = tpu.memref_squeeze %dma_start3A_194 : memref<1x512xi32, #tpu.memory_space<hbm>> -> memref<512xi32, #tpu.memory_space<hbm>>
    %dma_start3A_196 = arith.constant 4096 : i32
    %dma_start3A_197 = tpu.memref_slice %arg7[%dma_start3A_196] : memref<6656xi32, #tpu.memory_space<vmem>> -> memref<512xi32, #tpu.memory_space<vmem>>
    %dma_start3A_198 = tpu.memref_slice %arg2[%dma_start3A_191, %mul3A_2] : memref<26x16384xi32, #tpu.memory_space<hbm>> -> memref<1x512xi32, #tpu.memory_space<hbm>>
    %dma_start3A_199 = tpu.memref_squeeze %dma_start3A_198 : memref<1x512xi32, #tpu.memory_space<hbm>> -> memref<512xi32, #tpu.memory_space<hbm>>
    tpu.enqueue_dma source(%dma_start3A_199 : memref<512xi32, #tpu.memory_space<hbm>>) target(%dma_start3A_197 : memref<512xi32, #tpu.memory_space<vmem>>) target_semaphore(%arg12 : memref<!tpu.dma_semaphore, #tpu.memory_space<semaphore_mem>>)
    %dma_start3A_200 = arith.constant 22 : i32
    %dma_start3A_201 = arith.constant 4608 : i32
    %dma_start3A_202 = tpu.memref_slice %arg7[%dma_start3A_201] : memref<6656xi32, #tpu.memory_space<vmem>> -> memref<512xi32, #tpu.memory_space<vmem>>
    %dma_start3A_203 = tpu.memref_slice %arg2[%dma_start3A_200, %mul3A_2] : memref<26x16384xi32, #tpu.memory_space<hbm>> -> memref<1x512xi32, #tpu.memory_space<hbm>>
    %dma_start3A_204 = tpu.memref_squeeze %dma_start3A_203 : memref<1x512xi32, #tpu.memory_space<hbm>> -> memref<512xi32, #tpu.memory_space<hbm>>
    %dma_start3A_205 = arith.constant 4608 : i32
    %dma_start3A_206 = tpu.memref_slice %arg7[%dma_start3A_205] : memref<6656xi32, #tpu.memory_space<vmem>> -> memref<512xi32, #tpu.memory_space<vmem>>
    %dma_start3A_207 = tpu.memref_slice %arg2[%dma_start3A_200, %mul3A_2] : memref<26x16384xi32, #tpu.memory_space<hbm>> -> memref<1x512xi32, #tpu.memory_space<hbm>>
    %dma_start3A_208 = tpu.memref_squeeze %dma_start3A_207 : memref<1x512xi32, #tpu.memory_space<hbm>> -> memref<512xi32, #tpu.memory_space<hbm>>
    tpu.enqueue_dma source(%dma_start3A_208 : memref<512xi32, #tpu.memory_space<hbm>>) target(%dma_start3A_206 : memref<512xi32, #tpu.memory_space<vmem>>) target_semaphore(%arg12 : memref<!tpu.dma_semaphore, #tpu.memory_space<semaphore_mem>>)
    %dma_start3A_209 = arith.constant 23 : i32
    %dma_start3A_210 = arith.constant 5120 : i32
    %dma_start3A_211 = tpu.memref_slice %arg7[%dma_start3A_210] : memref<6656xi32, #tpu.memory_space<vmem>> -> memref<512xi32, #tpu.memory_space<vmem>>
    %dma_start3A_212 = tpu.memref_slice %arg2[%dma_start3A_209, %mul3A_2] : memref<26x16384xi32, #tpu.memory_space<hbm>> -> memref<1x512xi32, #tpu.memory_space<hbm>>
    %dma_start3A_213 = tpu.memref_squeeze %dma_start3A_212 : memref<1x512xi32, #tpu.memory_space<hbm>> -> memref<512xi32, #tpu.memory_space<hbm>>
    %dma_start3A_214 = arith.constant 5120 : i32
    %dma_start3A_215 = tpu.memref_slice %arg7[%dma_start3A_214] : memref<6656xi32, #tpu.memory_space<vmem>> -> memref<512xi32, #tpu.memory_space<vmem>>
    %dma_start3A_216 = tpu.memref_slice %arg2[%dma_start3A_209, %mul3A_2] : memref<26x16384xi32, #tpu.memory_space<hbm>> -> memref<1x512xi32, #tpu.memory_space<hbm>>
    %dma_start3A_217 = tpu.memref_squeeze %dma_start3A_216 : memref<1x512xi32, #tpu.memory_space<hbm>> -> memref<512xi32, #tpu.memory_space<hbm>>
    tpu.enqueue_dma source(%dma_start3A_217 : memref<512xi32, #tpu.memory_space<hbm>>) target(%dma_start3A_215 : memref<512xi32, #tpu.memory_space<vmem>>) target_semaphore(%arg12 : memref<!tpu.dma_semaphore, #tpu.memory_space<semaphore_mem>>)
    %dma_start3A_218 = arith.constant 24 : i32
    %dma_start3A_219 = arith.constant 5632 : i32
    %dma_start3A_220 = tpu.memref_slice %arg7[%dma_start3A_219] : memref<6656xi32, #tpu.memory_space<vmem>> -> memref<512xi32, #tpu.memory_space<vmem>>
    %dma_start3A_221 = tpu.memref_slice %arg2[%dma_start3A_218, %mul3A_2] : memref<26x16384xi32, #tpu.memory_space<hbm>> -> memref<1x512xi32, #tpu.memory_space<hbm>>
    %dma_start3A_222 = tpu.memref_squeeze %dma_start3A_221 : memref<1x512xi32, #tpu.memory_space<hbm>> -> memref<512xi32, #tpu.memory_space<hbm>>
    %dma_start3A_223 = arith.constant 5632 : i32
    %dma_start3A_224 = tpu.memref_slice %arg7[%dma_start3A_223] : memref<6656xi32, #tpu.memory_space<vmem>> -> memref<512xi32, #tpu.memory_space<vmem>>
    %dma_start3A_225 = tpu.memref_slice %arg2[%dma_start3A_218, %mul3A_2] : memref<26x16384xi32, #tpu.memory_space<hbm>> -> memref<1x512xi32, #tpu.memory_space<hbm>>
    %dma_start3A_226 = tpu.memref_squeeze %dma_start3A_225 : memref<1x512xi32, #tpu.memory_space<hbm>> -> memref<512xi32, #tpu.memory_space<hbm>>
    tpu.enqueue_dma source(%dma_start3A_226 : memref<512xi32, #tpu.memory_space<hbm>>) target(%dma_start3A_224 : memref<512xi32, #tpu.memory_space<vmem>>) target_semaphore(%arg12 : memref<!tpu.dma_semaphore, #tpu.memory_space<semaphore_mem>>)
    %dma_start3A_227 = arith.constant 25 : i32
    %dma_start3A_228 = arith.constant 6144 : i32
    %dma_start3A_229 = tpu.memref_slice %arg7[%dma_start3A_228] : memref<6656xi32, #tpu.memory_space<vmem>> -> memref<512xi32, #tpu.memory_space<vmem>>
    %dma_start3A_230 = tpu.memref_slice %arg2[%dma_start3A_227, %mul3A_2] : memref<26x16384xi32, #tpu.memory_space<hbm>> -> memref<1x512xi32, #tpu.memory_space<hbm>>
    %dma_start3A_231 = tpu.memref_squeeze %dma_start3A_230 : memref<1x512xi32, #tpu.memory_space<hbm>> -> memref<512xi32, #tpu.memory_space<hbm>>
    %dma_start3A_232 = arith.constant 6144 : i32
    %dma_start3A_233 = tpu.memref_slice %arg7[%dma_start3A_232] : memref<6656xi32, #tpu.memory_space<vmem>> -> memref<512xi32, #tpu.memory_space<vmem>>
    %dma_start3A_234 = tpu.memref_slice %arg2[%dma_start3A_227, %mul3A_2] : memref<26x16384xi32, #tpu.memory_space<hbm>> -> memref<1x512xi32, #tpu.memory_space<hbm>>
    %dma_start3A_235 = tpu.memref_squeeze %dma_start3A_234 : memref<1x512xi32, #tpu.memory_space<hbm>> -> memref<512xi32, #tpu.memory_space<hbm>>
    tpu.enqueue_dma source(%dma_start3A_235 : memref<512xi32, #tpu.memory_space<hbm>>) target(%dma_start3A_233 : memref<512xi32, #tpu.memory_space<vmem>>) target_semaphore(%arg12 : memref<!tpu.dma_semaphore, #tpu.memory_space<semaphore_mem>>)
    %dma_wait3A = arith.constant 0 : i32
    %dma_wait3A_236 = arith.constant 0 : i32
    %dma_wait3A_237 = tpu.memref_slice %arg6[%dma_wait3A_236] : memref<6656xi32, #tpu.memory_space<vmem>> -> memref<512xi32, #tpu.memory_space<vmem>>
    %dma_wait3A_238 = tpu.memref_slice %arg2[%dma_wait3A, %mul3A_2] : memref<26x16384xi32, #tpu.memory_space<hbm>> -> memref<1x512xi32, #tpu.memory_space<hbm>>
    %dma_wait3A_239 = tpu.memref_squeeze %dma_wait3A_238 : memref<1x512xi32, #tpu.memory_space<hbm>> -> memref<512xi32, #tpu.memory_space<hbm>>
    %dma_wait3A_240 = arith.constant 0 : i32
    %dma_wait3A_241 = tpu.memref_slice %arg6[%dma_wait3A_240] : memref<6656xi32, #tpu.memory_space<vmem>> -> memref<512xi32, #tpu.memory_space<vmem>>
    %dma_wait3A_242 = tpu.memref_slice %arg2[%dma_wait3A, %mul3A_2] : memref<26x16384xi32, #tpu.memory_space<hbm>> -> memref<1x512xi32, #tpu.memory_space<hbm>>
    %dma_wait3A_243 = tpu.memref_squeeze %dma_wait3A_242 : memref<1x512xi32, #tpu.memory_space<hbm>> -> memref<512xi32, #tpu.memory_space<hbm>>
    tpu.wait_dma2 semaphore(%arg12 : memref<!tpu.dma_semaphore, #tpu.memory_space<semaphore_mem>>) src(%dma_wait3A_243 : memref<512xi32, #tpu.memory_space<hbm>>) dst(%dma_wait3A_241 : memref<512xi32, #tpu.memory_space<vmem>>)
    %dma_wait3A_244 = arith.constant 1 : i32
    %dma_wait3A_245 = arith.constant 512 : i32
    %dma_wait3A_246 = tpu.memref_slice %arg6[%dma_wait3A_245] : memref<6656xi32, #tpu.memory_space<vmem>> -> memref<512xi32, #tpu.memory_space<vmem>>
    %dma_wait3A_247 = tpu.memref_slice %arg2[%dma_wait3A_244, %mul3A_2] : memref<26x16384xi32, #tpu.memory_space<hbm>> -> memref<1x512xi32, #tpu.memory_space<hbm>>
    %dma_wait3A_248 = tpu.memref_squeeze %dma_wait3A_247 : memref<1x512xi32, #tpu.memory_space<hbm>> -> memref<512xi32, #tpu.memory_space<hbm>>
    %dma_wait3A_249 = arith.constant 512 : i32
    %dma_wait3A_250 = tpu.memref_slice %arg6[%dma_wait3A_249] : memref<6656xi32, #tpu.memory_space<vmem>> -> memref<512xi32, #tpu.memory_space<vmem>>
    %dma_wait3A_251 = tpu.memref_slice %arg2[%dma_wait3A_244, %mul3A_2] : memref<26x16384xi32, #tpu.memory_space<hbm>> -> memref<1x512xi32, #tpu.memory_space<hbm>>
    %dma_wait3A_252 = tpu.memref_squeeze %dma_wait3A_251 : memref<1x512xi32, #tpu.memory_space<hbm>> -> memref<512xi32, #tpu.memory_space<hbm>>
    tpu.wait_dma2 semaphore(%arg12 : memref<!tpu.dma_semaphore, #tpu.memory_space<semaphore_mem>>) src(%dma_wait3A_252 : memref<512xi32, #tpu.memory_space<hbm>>) dst(%dma_wait3A_250 : memref<512xi32, #tpu.memory_space<vmem>>)
    %dma_wait3A_253 = arith.constant 2 : i32
    %dma_wait3A_254 = arith.constant 1024 : i32
    %dma_wait3A_255 = tpu.memref_slice %arg6[%dma_wait3A_254] : memref<6656xi32, #tpu.memory_space<vmem>> -> memref<512xi32, #tpu.memory_space<vmem>>
    %dma_wait3A_256 = tpu.memref_slice %arg2[%dma_wait3A_253, %mul3A_2] : memref<26x16384xi32, #tpu.memory_space<hbm>> -> memref<1x512xi32, #tpu.memory_space<hbm>>
    %dma_wait3A_257 = tpu.memref_squeeze %dma_wait3A_256 : memref<1x512xi32, #tpu.memory_space<hbm>> -> memref<512xi32, #tpu.memory_space<hbm>>
    %dma_wait3A_258 = arith.constant 1024 : i32
    %dma_wait3A_259 = tpu.memref_slice %arg6[%dma_wait3A_258] : memref<6656xi32, #tpu.memory_space<vmem>> -> memref<512xi32, #tpu.memory_space<vmem>>
    %dma_wait3A_260 = tpu.memref_slice %arg2[%dma_wait3A_253, %mul3A_2] : memref<26x16384xi32, #tpu.memory_space<hbm>> -> memref<1x512xi32, #tpu.memory_space<hbm>>
    %dma_wait3A_261 = tpu.memref_squeeze %dma_wait3A_260 : memref<1x512xi32, #tpu.memory_space<hbm>> -> memref<512xi32, #tpu.memory_space<hbm>>
    tpu.wait_dma2 semaphore(%arg12 : memref<!tpu.dma_semaphore, #tpu.memory_space<semaphore_mem>>) src(%dma_wait3A_261 : memref<512xi32, #tpu.memory_space<hbm>>) dst(%dma_wait3A_259 : memref<512xi32, #tpu.memory_space<vmem>>)
    %dma_wait3A_262 = arith.constant 3 : i32
    %dma_wait3A_263 = arith.constant 1536 : i32
    %dma_wait3A_264 = tpu.memref_slice %arg6[%dma_wait3A_263] : memref<6656xi32, #tpu.memory_space<vmem>> -> memref<512xi32, #tpu.memory_space<vmem>>
    %dma_wait3A_265 = tpu.memref_slice %arg2[%dma_wait3A_262, %mul3A_2] : memref<26x16384xi32, #tpu.memory_space<hbm>> -> memref<1x512xi32, #tpu.memory_space<hbm>>
    %dma_wait3A_266 = tpu.memref_squeeze %dma_wait3A_265 : memref<1x512xi32, #tpu.memory_space<hbm>> -> memref<512xi32, #tpu.memory_space<hbm>>
    %dma_wait3A_267 = arith.constant 1536 : i32
    %dma_wait3A_268 = tpu.memref_slice %arg6[%dma_wait3A_267] : memref<6656xi32, #tpu.memory_space<vmem>> -> memref<512xi32, #tpu.memory_space<vmem>>
    %dma_wait3A_269 = tpu.memref_slice %arg2[%dma_wait3A_262, %mul3A_2] : memref<26x16384xi32, #tpu.memory_space<hbm>> -> memref<1x512xi32, #tpu.memory_space<hbm>>
    %dma_wait3A_270 = tpu.memref_squeeze %dma_wait3A_269 : memref<1x512xi32, #tpu.memory_space<hbm>> -> memref<512xi32, #tpu.memory_space<hbm>>
    tpu.wait_dma2 semaphore(%arg12 : memref<!tpu.dma_semaphore, #tpu.memory_space<semaphore_mem>>) src(%dma_wait3A_270 : memref<512xi32, #tpu.memory_space<hbm>>) dst(%dma_wait3A_268 : memref<512xi32, #tpu.memory_space<vmem>>)
    %dma_wait3A_271 = arith.constant 4 : i32
    %dma_wait3A_272 = arith.constant 2048 : i32
    %dma_wait3A_273 = tpu.memref_slice %arg6[%dma_wait3A_272] : memref<6656xi32, #tpu.memory_space<vmem>> -> memref<512xi32, #tpu.memory_space<vmem>>
    %dma_wait3A_274 = tpu.memref_slice %arg2[%dma_wait3A_271, %mul3A_2] : memref<26x16384xi32, #tpu.memory_space<hbm>> -> memref<1x512xi32, #tpu.memory_space<hbm>>
    %dma_wait3A_275 = tpu.memref_squeeze %dma_wait3A_274 : memref<1x512xi32, #tpu.memory_space<hbm>> -> memref<512xi32, #tpu.memory_space<hbm>>
    %dma_wait3A_276 = arith.constant 2048 : i32
    %dma_wait3A_277 = tpu.memref_slice %arg6[%dma_wait3A_276] : memref<6656xi32, #tpu.memory_space<vmem>> -> memref<512xi32, #tpu.memory_space<vmem>>
    %dma_wait3A_278 = tpu.memref_slice %arg2[%dma_wait3A_271, %mul3A_2] : memref<26x16384xi32, #tpu.memory_space<hbm>> -> memref<1x512xi32, #tpu.memory_space<hbm>>
    %dma_wait3A_279 = tpu.memref_squeeze %dma_wait3A_278 : memref<1x512xi32, #tpu.memory_space<hbm>> -> memref<512xi32, #tpu.memory_space<hbm>>
    tpu.wait_dma2 semaphore(%arg12 : memref<!tpu.dma_semaphore, #tpu.memory_space<semaphore_mem>>) src(%dma_wait3A_279 : memref<512xi32, #tpu.memory_space<hbm>>) dst(%dma_wait3A_277 : memref<512xi32, #tpu.memory_space<vmem>>)
    %dma_wait3A_280 = arith.constant 5 : i32
    %dma_wait3A_281 = arith.constant 2560 : i32
    %dma_wait3A_282 = tpu.memref_slice %arg6[%dma_wait3A_281] : memref<6656xi32, #tpu.memory_space<vmem>> -> memref<512xi32, #tpu.memory_space<vmem>>
    %dma_wait3A_283 = tpu.memref_slice %arg2[%dma_wait3A_280, %mul3A_2] : memref<26x16384xi32, #tpu.memory_space<hbm>> -> memref<1x512xi32, #tpu.memory_space<hbm>>
    %dma_wait3A_284 = tpu.memref_squeeze %dma_wait3A_283 : memref<1x512xi32, #tpu.memory_space<hbm>> -> memref<512xi32, #tpu.memory_space<hbm>>
    %dma_wait3A_285 = arith.constant 2560 : i32
    %dma_wait3A_286 = tpu.memref_slice %arg6[%dma_wait3A_285] : memref<6656xi32, #tpu.memory_space<vmem>> -> memref<512xi32, #tpu.memory_space<vmem>>
    %dma_wait3A_287 = tpu.memref_slice %arg2[%dma_wait3A_280, %mul3A_2] : memref<26x16384xi32, #tpu.memory_space<hbm>> -> memref<1x512xi32, #tpu.memory_space<hbm>>
    %dma_wait3A_288 = tpu.memref_squeeze %dma_wait3A_287 : memref<1x512xi32, #tpu.memory_space<hbm>> -> memref<512xi32, #tpu.memory_space<hbm>>
    tpu.wait_dma2 semaphore(%arg12 : memref<!tpu.dma_semaphore, #tpu.memory_space<semaphore_mem>>) src(%dma_wait3A_288 : memref<512xi32, #tpu.memory_space<hbm>>) dst(%dma_wait3A_286 : memref<512xi32, #tpu.memory_space<vmem>>)
    %dma_wait3A_289 = arith.constant 6 : i32
    %dma_wait3A_290 = arith.constant 3072 : i32
    %dma_wait3A_291 = tpu.memref_slice %arg6[%dma_wait3A_290] : memref<6656xi32, #tpu.memory_space<vmem>> -> memref<512xi32, #tpu.memory_space<vmem>>
    %dma_wait3A_292 = tpu.memref_slice %arg2[%dma_wait3A_289, %mul3A_2] : memref<26x16384xi32, #tpu.memory_space<hbm>> -> memref<1x512xi32, #tpu.memory_space<hbm>>
    %dma_wait3A_293 = tpu.memref_squeeze %dma_wait3A_292 : memref<1x512xi32, #tpu.memory_space<hbm>> -> memref<512xi32, #tpu.memory_space<hbm>>
    %dma_wait3A_294 = arith.constant 3072 : i32
    %dma_wait3A_295 = tpu.memref_slice %arg6[%dma_wait3A_294] : memref<6656xi32, #tpu.memory_space<vmem>> -> memref<512xi32, #tpu.memory_space<vmem>>
    %dma_wait3A_296 = tpu.memref_slice %arg2[%dma_wait3A_289, %mul3A_2] : memref<26x16384xi32, #tpu.memory_space<hbm>> -> memref<1x512xi32, #tpu.memory_space<hbm>>
    %dma_wait3A_297 = tpu.memref_squeeze %dma_wait3A_296 : memref<1x512xi32, #tpu.memory_space<hbm>> -> memref<512xi32, #tpu.memory_space<hbm>>
    tpu.wait_dma2 semaphore(%arg12 : memref<!tpu.dma_semaphore, #tpu.memory_space<semaphore_mem>>) src(%dma_wait3A_297 : memref<512xi32, #tpu.memory_space<hbm>>) dst(%dma_wait3A_295 : memref<512xi32, #tpu.memory_space<vmem>>)
    %dma_wait3A_298 = arith.constant 7 : i32
    %dma_wait3A_299 = arith.constant 3584 : i32
    %dma_wait3A_300 = tpu.memref_slice %arg6[%dma_wait3A_299] : memref<6656xi32, #tpu.memory_space<vmem>> -> memref<512xi32, #tpu.memory_space<vmem>>
    %dma_wait3A_301 = tpu.memref_slice %arg2[%dma_wait3A_298, %mul3A_2] : memref<26x16384xi32, #tpu.memory_space<hbm>> -> memref<1x512xi32, #tpu.memory_space<hbm>>
    %dma_wait3A_302 = tpu.memref_squeeze %dma_wait3A_301 : memref<1x512xi32, #tpu.memory_space<hbm>> -> memref<512xi32, #tpu.memory_space<hbm>>
    %dma_wait3A_303 = arith.constant 3584 : i32
    %dma_wait3A_304 = tpu.memref_slice %arg6[%dma_wait3A_303] : memref<6656xi32, #tpu.memory_space<vmem>> -> memref<512xi32, #tpu.memory_space<vmem>>
    %dma_wait3A_305 = tpu.memref_slice %arg2[%dma_wait3A_298, %mul3A_2] : memref<26x16384xi32, #tpu.memory_space<hbm>> -> memref<1x512xi32, #tpu.memory_space<hbm>>
    %dma_wait3A_306 = tpu.memref_squeeze %dma_wait3A_305 : memref<1x512xi32, #tpu.memory_space<hbm>> -> memref<512xi32, #tpu.memory_space<hbm>>
    tpu.wait_dma2 semaphore(%arg12 : memref<!tpu.dma_semaphore, #tpu.memory_space<semaphore_mem>>) src(%dma_wait3A_306 : memref<512xi32, #tpu.memory_space<hbm>>) dst(%dma_wait3A_304 : memref<512xi32, #tpu.memory_space<vmem>>)
    %dma_wait3A_307 = arith.constant 8 : i32
    %dma_wait3A_308 = arith.constant 4096 : i32
    %dma_wait3A_309 = tpu.memref_slice %arg6[%dma_wait3A_308] : memref<6656xi32, #tpu.memory_space<vmem>> -> memref<512xi32, #tpu.memory_space<vmem>>
    %dma_wait3A_310 = tpu.memref_slice %arg2[%dma_wait3A_307, %mul3A_2] : memref<26x16384xi32, #tpu.memory_space<hbm>> -> memref<1x512xi32, #tpu.memory_space<hbm>>
    %dma_wait3A_311 = tpu.memref_squeeze %dma_wait3A_310 : memref<1x512xi32, #tpu.memory_space<hbm>> -> memref<512xi32, #tpu.memory_space<hbm>>
    %dma_wait3A_312 = arith.constant 4096 : i32
    %dma_wait3A_313 = tpu.memref_slice %arg6[%dma_wait3A_312] : memref<6656xi32, #tpu.memory_space<vmem>> -> memref<512xi32, #tpu.memory_space<vmem>>
    %dma_wait3A_314 = tpu.memref_slice %arg2[%dma_wait3A_307, %mul3A_2] : memref<26x16384xi32, #tpu.memory_space<hbm>> -> memref<1x512xi32, #tpu.memory_space<hbm>>
    %dma_wait3A_315 = tpu.memref_squeeze %dma_wait3A_314 : memref<1x512xi32, #tpu.memory_space<hbm>> -> memref<512xi32, #tpu.memory_space<hbm>>
    tpu.wait_dma2 semaphore(%arg12 : memref<!tpu.dma_semaphore, #tpu.memory_space<semaphore_mem>>) src(%dma_wait3A_315 : memref<512xi32, #tpu.memory_space<hbm>>) dst(%dma_wait3A_313 : memref<512xi32, #tpu.memory_space<vmem>>)
    %dma_wait3A_316 = arith.constant 9 : i32
    %dma_wait3A_317 = arith.constant 4608 : i32
    %dma_wait3A_318 = tpu.memref_slice %arg6[%dma_wait3A_317] : memref<6656xi32, #tpu.memory_space<vmem>> -> memref<512xi32, #tpu.memory_space<vmem>>
    %dma_wait3A_319 = tpu.memref_slice %arg2[%dma_wait3A_316, %mul3A_2] : memref<26x16384xi32, #tpu.memory_space<hbm>> -> memref<1x512xi32, #tpu.memory_space<hbm>>
    %dma_wait3A_320 = tpu.memref_squeeze %dma_wait3A_319 : memref<1x512xi32, #tpu.memory_space<hbm>> -> memref<512xi32, #tpu.memory_space<hbm>>
    %dma_wait3A_321 = arith.constant 4608 : i32
    %dma_wait3A_322 = tpu.memref_slice %arg6[%dma_wait3A_321] : memref<6656xi32, #tpu.memory_space<vmem>> -> memref<512xi32, #tpu.memory_space<vmem>>
    %dma_wait3A_323 = tpu.memref_slice %arg2[%dma_wait3A_316, %mul3A_2] : memref<26x16384xi32, #tpu.memory_space<hbm>> -> memref<1x512xi32, #tpu.memory_space<hbm>>
    %dma_wait3A_324 = tpu.memref_squeeze %dma_wait3A_323 : memref<1x512xi32, #tpu.memory_space<hbm>> -> memref<512xi32, #tpu.memory_space<hbm>>
    tpu.wait_dma2 semaphore(%arg12 : memref<!tpu.dma_semaphore, #tpu.memory_space<semaphore_mem>>) src(%dma_wait3A_324 : memref<512xi32, #tpu.memory_space<hbm>>) dst(%dma_wait3A_322 : memref<512xi32, #tpu.memory_space<vmem>>)
    %dma_wait3A_325 = arith.constant 10 : i32
    %dma_wait3A_326 = arith.constant 5120 : i32
    %dma_wait3A_327 = tpu.memref_slice %arg6[%dma_wait3A_326] : memref<6656xi32, #tpu.memory_space<vmem>> -> memref<512xi32, #tpu.memory_space<vmem>>
    %dma_wait3A_328 = tpu.memref_slice %arg2[%dma_wait3A_325, %mul3A_2] : memref<26x16384xi32, #tpu.memory_space<hbm>> -> memref<1x512xi32, #tpu.memory_space<hbm>>
    %dma_wait3A_329 = tpu.memref_squeeze %dma_wait3A_328 : memref<1x512xi32, #tpu.memory_space<hbm>> -> memref<512xi32, #tpu.memory_space<hbm>>
    %dma_wait3A_330 = arith.constant 5120 : i32
    %dma_wait3A_331 = tpu.memref_slice %arg6[%dma_wait3A_330] : memref<6656xi32, #tpu.memory_space<vmem>> -> memref<512xi32, #tpu.memory_space<vmem>>
    %dma_wait3A_332 = tpu.memref_slice %arg2[%dma_wait3A_325, %mul3A_2] : memref<26x16384xi32, #tpu.memory_space<hbm>> -> memref<1x512xi32, #tpu.memory_space<hbm>>
    %dma_wait3A_333 = tpu.memref_squeeze %dma_wait3A_332 : memref<1x512xi32, #tpu.memory_space<hbm>> -> memref<512xi32, #tpu.memory_space<hbm>>
    tpu.wait_dma2 semaphore(%arg12 : memref<!tpu.dma_semaphore, #tpu.memory_space<semaphore_mem>>) src(%dma_wait3A_333 : memref<512xi32, #tpu.memory_space<hbm>>) dst(%dma_wait3A_331 : memref<512xi32, #tpu.memory_space<vmem>>)
    %dma_wait3A_334 = arith.constant 11 : i32
    %dma_wait3A_335 = arith.constant 5632 : i32
    %dma_wait3A_336 = tpu.memref_slice %arg6[%dma_wait3A_335] : memref<6656xi32, #tpu.memory_space<vmem>> -> memref<512xi32, #tpu.memory_space<vmem>>
    %dma_wait3A_337 = tpu.memref_slice %arg2[%dma_wait3A_334, %mul3A_2] : memref<26x16384xi32, #tpu.memory_space<hbm>> -> memref<1x512xi32, #tpu.memory_space<hbm>>
    %dma_wait3A_338 = tpu.memref_squeeze %dma_wait3A_337 : memref<1x512xi32, #tpu.memory_space<hbm>> -> memref<512xi32, #tpu.memory_space<hbm>>
    %dma_wait3A_339 = arith.constant 5632 : i32
    %dma_wait3A_340 = tpu.memref_slice %arg6[%dma_wait3A_339] : memref<6656xi32, #tpu.memory_space<vmem>> -> memref<512xi32, #tpu.memory_space<vmem>>
    %dma_wait3A_341 = tpu.memref_slice %arg2[%dma_wait3A_334, %mul3A_2] : memref<26x16384xi32, #tpu.memory_space<hbm>> -> memref<1x512xi32, #tpu.memory_space<hbm>>
    %dma_wait3A_342 = tpu.memref_squeeze %dma_wait3A_341 : memref<1x512xi32, #tpu.memory_space<hbm>> -> memref<512xi32, #tpu.memory_space<hbm>>
    tpu.wait_dma2 semaphore(%arg12 : memref<!tpu.dma_semaphore, #tpu.memory_space<semaphore_mem>>) src(%dma_wait3A_342 : memref<512xi32, #tpu.memory_space<hbm>>) dst(%dma_wait3A_340 : memref<512xi32, #tpu.memory_space<vmem>>)
    %dma_wait3A_343 = arith.constant 12 : i32
    %dma_wait3A_344 = arith.constant 6144 : i32
    %dma_wait3A_345 = tpu.memref_slice %arg6[%dma_wait3A_344] : memref<6656xi32, #tpu.memory_space<vmem>> -> memref<512xi32, #tpu.memory_space<vmem>>
    %dma_wait3A_346 = tpu.memref_slice %arg2[%dma_wait3A_343, %mul3A_2] : memref<26x16384xi32, #tpu.memory_space<hbm>> -> memref<1x512xi32, #tpu.memory_space<hbm>>
    %dma_wait3A_347 = tpu.memref_squeeze %dma_wait3A_346 : memref<1x512xi32, #tpu.memory_space<hbm>> -> memref<512xi32, #tpu.memory_space<hbm>>
    %dma_wait3A_348 = arith.constant 6144 : i32
    %dma_wait3A_349 = tpu.memref_slice %arg6[%dma_wait3A_348] : memref<6656xi32, #tpu.memory_space<vmem>> -> memref<512xi32, #tpu.memory_space<vmem>>
    %dma_wait3A_350 = tpu.memref_slice %arg2[%dma_wait3A_343, %mul3A_2] : memref<26x16384xi32, #tpu.memory_space<hbm>> -> memref<1x512xi32, #tpu.memory_space<hbm>>
    %dma_wait3A_351 = tpu.memref_squeeze %dma_wait3A_350 : memref<1x512xi32, #tpu.memory_space<hbm>> -> memref<512xi32, #tpu.memory_space<hbm>>
    tpu.wait_dma2 semaphore(%arg12 : memref<!tpu.dma_semaphore, #tpu.memory_space<semaphore_mem>>) src(%dma_wait3A_351 : memref<512xi32, #tpu.memory_space<hbm>>) dst(%dma_wait3A_349 : memref<512xi32, #tpu.memory_space<vmem>>)
    %dma_start3A_352 = arith.constant 0 : i32
    %dma_start3A_353 = tpu.memref_slice %arg4[%dma_start3A_352] : memref<1000000xf32, #tpu.memory_space<hbm>> -> memref<1000000xf32, #tpu.memory_space<hbm>>
    tpu.enqueue_indirect_dma source(%dma_start3A_353 : memref<1000000xf32, #tpu.memory_space<hbm>>) target(%arg9 : memref<6656xf32, #tpu.memory_space<vmem>>) offsets(%arg6 : memref<6656xi32, #tpu.memory_space<vmem>>) semaphore(%arg13 : memref<!tpu.dma_semaphore, #tpu.memory_space<semaphore_mem>>)
    %dma_wait3A_354 = arith.constant 13 : i32
    %dma_wait3A_355 = arith.constant 0 : i32
    %dma_wait3A_356 = tpu.memref_slice %arg7[%dma_wait3A_355] : memref<6656xi32, #tpu.memory_space<vmem>> -> memref<512xi32, #tpu.memory_space<vmem>>
    %dma_wait3A_357 = tpu.memref_slice %arg2[%dma_wait3A_354, %mul3A_2] : memref<26x16384xi32, #tpu.memory_space<hbm>> -> memref<1x512xi32, #tpu.memory_space<hbm>>
    %dma_wait3A_358 = tpu.memref_squeeze %dma_wait3A_357 : memref<1x512xi32, #tpu.memory_space<hbm>> -> memref<512xi32, #tpu.memory_space<hbm>>
    %dma_wait3A_359 = arith.constant 0 : i32
    %dma_wait3A_360 = tpu.memref_slice %arg7[%dma_wait3A_359] : memref<6656xi32, #tpu.memory_space<vmem>> -> memref<512xi32, #tpu.memory_space<vmem>>
    %dma_wait3A_361 = tpu.memref_slice %arg2[%dma_wait3A_354, %mul3A_2] : memref<26x16384xi32, #tpu.memory_space<hbm>> -> memref<1x512xi32, #tpu.memory_space<hbm>>
    %dma_wait3A_362 = tpu.memref_squeeze %dma_wait3A_361 : memref<1x512xi32, #tpu.memory_space<hbm>> -> memref<512xi32, #tpu.memory_space<hbm>>
    tpu.wait_dma2 semaphore(%arg12 : memref<!tpu.dma_semaphore, #tpu.memory_space<semaphore_mem>>) src(%dma_wait3A_362 : memref<512xi32, #tpu.memory_space<hbm>>) dst(%dma_wait3A_360 : memref<512xi32, #tpu.memory_space<vmem>>)
    %dma_wait3A_363 = arith.constant 14 : i32
    %dma_wait3A_364 = arith.constant 512 : i32
    %dma_wait3A_365 = tpu.memref_slice %arg7[%dma_wait3A_364] : memref<6656xi32, #tpu.memory_space<vmem>> -> memref<512xi32, #tpu.memory_space<vmem>>
    %dma_wait3A_366 = tpu.memref_slice %arg2[%dma_wait3A_363, %mul3A_2] : memref<26x16384xi32, #tpu.memory_space<hbm>> -> memref<1x512xi32, #tpu.memory_space<hbm>>
    %dma_wait3A_367 = tpu.memref_squeeze %dma_wait3A_366 : memref<1x512xi32, #tpu.memory_space<hbm>> -> memref<512xi32, #tpu.memory_space<hbm>>
    %dma_wait3A_368 = arith.constant 512 : i32
    %dma_wait3A_369 = tpu.memref_slice %arg7[%dma_wait3A_368] : memref<6656xi32, #tpu.memory_space<vmem>> -> memref<512xi32, #tpu.memory_space<vmem>>
    %dma_wait3A_370 = tpu.memref_slice %arg2[%dma_wait3A_363, %mul3A_2] : memref<26x16384xi32, #tpu.memory_space<hbm>> -> memref<1x512xi32, #tpu.memory_space<hbm>>
    %dma_wait3A_371 = tpu.memref_squeeze %dma_wait3A_370 : memref<1x512xi32, #tpu.memory_space<hbm>> -> memref<512xi32, #tpu.memory_space<hbm>>
    tpu.wait_dma2 semaphore(%arg12 : memref<!tpu.dma_semaphore, #tpu.memory_space<semaphore_mem>>) src(%dma_wait3A_371 : memref<512xi32, #tpu.memory_space<hbm>>) dst(%dma_wait3A_369 : memref<512xi32, #tpu.memory_space<vmem>>)
    %dma_wait3A_372 = arith.constant 15 : i32
    %dma_wait3A_373 = arith.constant 1024 : i32
    %dma_wait3A_374 = tpu.memref_slice %arg7[%dma_wait3A_373] : memref<6656xi32, #tpu.memory_space<vmem>> -> memref<512xi32, #tpu.memory_space<vmem>>
    %dma_wait3A_375 = tpu.memref_slice %arg2[%dma_wait3A_372, %mul3A_2] : memref<26x16384xi32, #tpu.memory_space<hbm>> -> memref<1x512xi32, #tpu.memory_space<hbm>>
    %dma_wait3A_376 = tpu.memref_squeeze %dma_wait3A_375 : memref<1x512xi32, #tpu.memory_space<hbm>> -> memref<512xi32, #tpu.memory_space<hbm>>
    %dma_wait3A_377 = arith.constant 1024 : i32
    %dma_wait3A_378 = tpu.memref_slice %arg7[%dma_wait3A_377] : memref<6656xi32, #tpu.memory_space<vmem>> -> memref<512xi32, #tpu.memory_space<vmem>>
    %dma_wait3A_379 = tpu.memref_slice %arg2[%dma_wait3A_372, %mul3A_2] : memref<26x16384xi32, #tpu.memory_space<hbm>> -> memref<1x512xi32, #tpu.memory_space<hbm>>
    %dma_wait3A_380 = tpu.memref_squeeze %dma_wait3A_379 : memref<1x512xi32, #tpu.memory_space<hbm>> -> memref<512xi32, #tpu.memory_space<hbm>>
    tpu.wait_dma2 semaphore(%arg12 : memref<!tpu.dma_semaphore, #tpu.memory_space<semaphore_mem>>) src(%dma_wait3A_380 : memref<512xi32, #tpu.memory_space<hbm>>) dst(%dma_wait3A_378 : memref<512xi32, #tpu.memory_space<vmem>>)
    %dma_wait3A_381 = arith.constant 16 : i32
    %dma_wait3A_382 = arith.constant 1536 : i32
    %dma_wait3A_383 = tpu.memref_slice %arg7[%dma_wait3A_382] : memref<6656xi32, #tpu.memory_space<vmem>> -> memref<512xi32, #tpu.memory_space<vmem>>
    %dma_wait3A_384 = tpu.memref_slice %arg2[%dma_wait3A_381, %mul3A_2] : memref<26x16384xi32, #tpu.memory_space<hbm>> -> memref<1x512xi32, #tpu.memory_space<hbm>>
    %dma_wait3A_385 = tpu.memref_squeeze %dma_wait3A_384 : memref<1x512xi32, #tpu.memory_space<hbm>> -> memref<512xi32, #tpu.memory_space<hbm>>
    %dma_wait3A_386 = arith.constant 1536 : i32
    %dma_wait3A_387 = tpu.memref_slice %arg7[%dma_wait3A_386] : memref<6656xi32, #tpu.memory_space<vmem>> -> memref<512xi32, #tpu.memory_space<vmem>>
    %dma_wait3A_388 = tpu.memref_slice %arg2[%dma_wait3A_381, %mul3A_2] : memref<26x16384xi32, #tpu.memory_space<hbm>> -> memref<1x512xi32, #tpu.memory_space<hbm>>
    %dma_wait3A_389 = tpu.memref_squeeze %dma_wait3A_388 : memref<1x512xi32, #tpu.memory_space<hbm>> -> memref<512xi32, #tpu.memory_space<hbm>>
    tpu.wait_dma2 semaphore(%arg12 : memref<!tpu.dma_semaphore, #tpu.memory_space<semaphore_mem>>) src(%dma_wait3A_389 : memref<512xi32, #tpu.memory_space<hbm>>) dst(%dma_wait3A_387 : memref<512xi32, #tpu.memory_space<vmem>>)
    %dma_wait3A_390 = arith.constant 17 : i32
    %dma_wait3A_391 = arith.constant 2048 : i32
    %dma_wait3A_392 = tpu.memref_slice %arg7[%dma_wait3A_391] : memref<6656xi32, #tpu.memory_space<vmem>> -> memref<512xi32, #tpu.memory_space<vmem>>
    %dma_wait3A_393 = tpu.memref_slice %arg2[%dma_wait3A_390, %mul3A_2] : memref<26x16384xi32, #tpu.memory_space<hbm>> -> memref<1x512xi32, #tpu.memory_space<hbm>>
    %dma_wait3A_394 = tpu.memref_squeeze %dma_wait3A_393 : memref<1x512xi32, #tpu.memory_space<hbm>> -> memref<512xi32, #tpu.memory_space<hbm>>
    %dma_wait3A_395 = arith.constant 2048 : i32
    %dma_wait3A_396 = tpu.memref_slice %arg7[%dma_wait3A_395] : memref<6656xi32, #tpu.memory_space<vmem>> -> memref<512xi32, #tpu.memory_space<vmem>>
    %dma_wait3A_397 = tpu.memref_slice %arg2[%dma_wait3A_390, %mul3A_2] : memref<26x16384xi32, #tpu.memory_space<hbm>> -> memref<1x512xi32, #tpu.memory_space<hbm>>
    %dma_wait3A_398 = tpu.memref_squeeze %dma_wait3A_397 : memref<1x512xi32, #tpu.memory_space<hbm>> -> memref<512xi32, #tpu.memory_space<hbm>>
    tpu.wait_dma2 semaphore(%arg12 : memref<!tpu.dma_semaphore, #tpu.memory_space<semaphore_mem>>) src(%dma_wait3A_398 : memref<512xi32, #tpu.memory_space<hbm>>) dst(%dma_wait3A_396 : memref<512xi32, #tpu.memory_space<vmem>>)
    %dma_wait3A_399 = arith.constant 18 : i32
    %dma_wait3A_400 = arith.constant 2560 : i32
    %dma_wait3A_401 = tpu.memref_slice %arg7[%dma_wait3A_400] : memref<6656xi32, #tpu.memory_space<vmem>> -> memref<512xi32, #tpu.memory_space<vmem>>
    %dma_wait3A_402 = tpu.memref_slice %arg2[%dma_wait3A_399, %mul3A_2] : memref<26x16384xi32, #tpu.memory_space<hbm>> -> memref<1x512xi32, #tpu.memory_space<hbm>>
    %dma_wait3A_403 = tpu.memref_squeeze %dma_wait3A_402 : memref<1x512xi32, #tpu.memory_space<hbm>> -> memref<512xi32, #tpu.memory_space<hbm>>
    %dma_wait3A_404 = arith.constant 2560 : i32
    %dma_wait3A_405 = tpu.memref_slice %arg7[%dma_wait3A_404] : memref<6656xi32, #tpu.memory_space<vmem>> -> memref<512xi32, #tpu.memory_space<vmem>>
    %dma_wait3A_406 = tpu.memref_slice %arg2[%dma_wait3A_399, %mul3A_2] : memref<26x16384xi32, #tpu.memory_space<hbm>> -> memref<1x512xi32, #tpu.memory_space<hbm>>
    %dma_wait3A_407 = tpu.memref_squeeze %dma_wait3A_406 : memref<1x512xi32, #tpu.memory_space<hbm>> -> memref<512xi32, #tpu.memory_space<hbm>>
    tpu.wait_dma2 semaphore(%arg12 : memref<!tpu.dma_semaphore, #tpu.memory_space<semaphore_mem>>) src(%dma_wait3A_407 : memref<512xi32, #tpu.memory_space<hbm>>) dst(%dma_wait3A_405 : memref<512xi32, #tpu.memory_space<vmem>>)
    %dma_wait3A_408 = arith.constant 19 : i32
    %dma_wait3A_409 = arith.constant 3072 : i32
    %dma_wait3A_410 = tpu.memref_slice %arg7[%dma_wait3A_409] : memref<6656xi32, #tpu.memory_space<vmem>> -> memref<512xi32, #tpu.memory_space<vmem>>
    %dma_wait3A_411 = tpu.memref_slice %arg2[%dma_wait3A_408, %mul3A_2] : memref<26x16384xi32, #tpu.memory_space<hbm>> -> memref<1x512xi32, #tpu.memory_space<hbm>>
    %dma_wait3A_412 = tpu.memref_squeeze %dma_wait3A_411 : memref<1x512xi32, #tpu.memory_space<hbm>> -> memref<512xi32, #tpu.memory_space<hbm>>
    %dma_wait3A_413 = arith.constant 3072 : i32
    %dma_wait3A_414 = tpu.memref_slice %arg7[%dma_wait3A_413] : memref<6656xi32, #tpu.memory_space<vmem>> -> memref<512xi32, #tpu.memory_space<vmem>>
    %dma_wait3A_415 = tpu.memref_slice %arg2[%dma_wait3A_408, %mul3A_2] : memref<26x16384xi32, #tpu.memory_space<hbm>> -> memref<1x512xi32, #tpu.memory_space<hbm>>
    %dma_wait3A_416 = tpu.memref_squeeze %dma_wait3A_415 : memref<1x512xi32, #tpu.memory_space<hbm>> -> memref<512xi32, #tpu.memory_space<hbm>>
    tpu.wait_dma2 semaphore(%arg12 : memref<!tpu.dma_semaphore, #tpu.memory_space<semaphore_mem>>) src(%dma_wait3A_416 : memref<512xi32, #tpu.memory_space<hbm>>) dst(%dma_wait3A_414 : memref<512xi32, #tpu.memory_space<vmem>>)
    %dma_wait3A_417 = arith.constant 20 : i32
    %dma_wait3A_418 = arith.constant 3584 : i32
    %dma_wait3A_419 = tpu.memref_slice %arg7[%dma_wait3A_418] : memref<6656xi32, #tpu.memory_space<vmem>> -> memref<512xi32, #tpu.memory_space<vmem>>
    %dma_wait3A_420 = tpu.memref_slice %arg2[%dma_wait3A_417, %mul3A_2] : memref<26x16384xi32, #tpu.memory_space<hbm>> -> memref<1x512xi32, #tpu.memory_space<hbm>>
    %dma_wait3A_421 = tpu.memref_squeeze %dma_wait3A_420 : memref<1x512xi32, #tpu.memory_space<hbm>> -> memref<512xi32, #tpu.memory_space<hbm>>
    %dma_wait3A_422 = arith.constant 3584 : i32
    %dma_wait3A_423 = tpu.memref_slice %arg7[%dma_wait3A_422] : memref<6656xi32, #tpu.memory_space<vmem>> -> memref<512xi32, #tpu.memory_space<vmem>>
    %dma_wait3A_424 = tpu.memref_slice %arg2[%dma_wait3A_417, %mul3A_2] : memref<26x16384xi32, #tpu.memory_space<hbm>> -> memref<1x512xi32, #tpu.memory_space<hbm>>
    %dma_wait3A_425 = tpu.memref_squeeze %dma_wait3A_424 : memref<1x512xi32, #tpu.memory_space<hbm>> -> memref<512xi32, #tpu.memory_space<hbm>>
    tpu.wait_dma2 semaphore(%arg12 : memref<!tpu.dma_semaphore, #tpu.memory_space<semaphore_mem>>) src(%dma_wait3A_425 : memref<512xi32, #tpu.memory_space<hbm>>) dst(%dma_wait3A_423 : memref<512xi32, #tpu.memory_space<vmem>>)
    %dma_wait3A_426 = arith.constant 21 : i32
    %dma_wait3A_427 = arith.constant 4096 : i32
    %dma_wait3A_428 = tpu.memref_slice %arg7[%dma_wait3A_427] : memref<6656xi32, #tpu.memory_space<vmem>> -> memref<512xi32, #tpu.memory_space<vmem>>
    %dma_wait3A_429 = tpu.memref_slice %arg2[%dma_wait3A_426, %mul3A_2] : memref<26x16384xi32, #tpu.memory_space<hbm>> -> memref<1x512xi32, #tpu.memory_space<hbm>>
    %dma_wait3A_430 = tpu.memref_squeeze %dma_wait3A_429 : memref<1x512xi32, #tpu.memory_space<hbm>> -> memref<512xi32, #tpu.memory_space<hbm>>
    %dma_wait3A_431 = arith.constant 4096 : i32
    %dma_wait3A_432 = tpu.memref_slice %arg7[%dma_wait3A_431] : memref<6656xi32, #tpu.memory_space<vmem>> -> memref<512xi32, #tpu.memory_space<vmem>>
    %dma_wait3A_433 = tpu.memref_slice %arg2[%dma_wait3A_426, %mul3A_2] : memref<26x16384xi32, #tpu.memory_space<hbm>> -> memref<1x512xi32, #tpu.memory_space<hbm>>
    %dma_wait3A_434 = tpu.memref_squeeze %dma_wait3A_433 : memref<1x512xi32, #tpu.memory_space<hbm>> -> memref<512xi32, #tpu.memory_space<hbm>>
    tpu.wait_dma2 semaphore(%arg12 : memref<!tpu.dma_semaphore, #tpu.memory_space<semaphore_mem>>) src(%dma_wait3A_434 : memref<512xi32, #tpu.memory_space<hbm>>) dst(%dma_wait3A_432 : memref<512xi32, #tpu.memory_space<vmem>>)
    %dma_wait3A_435 = arith.constant 22 : i32
    %dma_wait3A_436 = arith.constant 4608 : i32
    %dma_wait3A_437 = tpu.memref_slice %arg7[%dma_wait3A_436] : memref<6656xi32, #tpu.memory_space<vmem>> -> memref<512xi32, #tpu.memory_space<vmem>>
    %dma_wait3A_438 = tpu.memref_slice %arg2[%dma_wait3A_435, %mul3A_2] : memref<26x16384xi32, #tpu.memory_space<hbm>> -> memref<1x512xi32, #tpu.memory_space<hbm>>
    %dma_wait3A_439 = tpu.memref_squeeze %dma_wait3A_438 : memref<1x512xi32, #tpu.memory_space<hbm>> -> memref<512xi32, #tpu.memory_space<hbm>>
    %dma_wait3A_440 = arith.constant 4608 : i32
    %dma_wait3A_441 = tpu.memref_slice %arg7[%dma_wait3A_440] : memref<6656xi32, #tpu.memory_space<vmem>> -> memref<512xi32, #tpu.memory_space<vmem>>
    %dma_wait3A_442 = tpu.memref_slice %arg2[%dma_wait3A_435, %mul3A_2] : memref<26x16384xi32, #tpu.memory_space<hbm>> -> memref<1x512xi32, #tpu.memory_space<hbm>>
    %dma_wait3A_443 = tpu.memref_squeeze %dma_wait3A_442 : memref<1x512xi32, #tpu.memory_space<hbm>> -> memref<512xi32, #tpu.memory_space<hbm>>
    tpu.wait_dma2 semaphore(%arg12 : memref<!tpu.dma_semaphore, #tpu.memory_space<semaphore_mem>>) src(%dma_wait3A_443 : memref<512xi32, #tpu.memory_space<hbm>>) dst(%dma_wait3A_441 : memref<512xi32, #tpu.memory_space<vmem>>)
    %dma_wait3A_444 = arith.constant 23 : i32
    %dma_wait3A_445 = arith.constant 5120 : i32
    %dma_wait3A_446 = tpu.memref_slice %arg7[%dma_wait3A_445] : memref<6656xi32, #tpu.memory_space<vmem>> -> memref<512xi32, #tpu.memory_space<vmem>>
    %dma_wait3A_447 = tpu.memref_slice %arg2[%dma_wait3A_444, %mul3A_2] : memref<26x16384xi32, #tpu.memory_space<hbm>> -> memref<1x512xi32, #tpu.memory_space<hbm>>
    %dma_wait3A_448 = tpu.memref_squeeze %dma_wait3A_447 : memref<1x512xi32, #tpu.memory_space<hbm>> -> memref<512xi32, #tpu.memory_space<hbm>>
    %dma_wait3A_449 = arith.constant 5120 : i32
    %dma_wait3A_450 = tpu.memref_slice %arg7[%dma_wait3A_449] : memref<6656xi32, #tpu.memory_space<vmem>> -> memref<512xi32, #tpu.memory_space<vmem>>
    %dma_wait3A_451 = tpu.memref_slice %arg2[%dma_wait3A_444, %mul3A_2] : memref<26x16384xi32, #tpu.memory_space<hbm>> -> memref<1x512xi32, #tpu.memory_space<hbm>>
    %dma_wait3A_452 = tpu.memref_squeeze %dma_wait3A_451 : memref<1x512xi32, #tpu.memory_space<hbm>> -> memref<512xi32, #tpu.memory_space<hbm>>
    tpu.wait_dma2 semaphore(%arg12 : memref<!tpu.dma_semaphore, #tpu.memory_space<semaphore_mem>>) src(%dma_wait3A_452 : memref<512xi32, #tpu.memory_space<hbm>>) dst(%dma_wait3A_450 : memref<512xi32, #tpu.memory_space<vmem>>)
    %dma_wait3A_453 = arith.constant 24 : i32
    %dma_wait3A_454 = arith.constant 5632 : i32
    %dma_wait3A_455 = tpu.memref_slice %arg7[%dma_wait3A_454] : memref<6656xi32, #tpu.memory_space<vmem>> -> memref<512xi32, #tpu.memory_space<vmem>>
    %dma_wait3A_456 = tpu.memref_slice %arg2[%dma_wait3A_453, %mul3A_2] : memref<26x16384xi32, #tpu.memory_space<hbm>> -> memref<1x512xi32, #tpu.memory_space<hbm>>
    %dma_wait3A_457 = tpu.memref_squeeze %dma_wait3A_456 : memref<1x512xi32, #tpu.memory_space<hbm>> -> memref<512xi32, #tpu.memory_space<hbm>>
    %dma_wait3A_458 = arith.constant 5632 : i32
    %dma_wait3A_459 = tpu.memref_slice %arg7[%dma_wait3A_458] : memref<6656xi32, #tpu.memory_space<vmem>> -> memref<512xi32, #tpu.memory_space<vmem>>
    %dma_wait3A_460 = tpu.memref_slice %arg2[%dma_wait3A_453, %mul3A_2] : memref<26x16384xi32, #tpu.memory_space<hbm>> -> memref<1x512xi32, #tpu.memory_space<hbm>>
    %dma_wait3A_461 = tpu.memref_squeeze %dma_wait3A_460 : memref<1x512xi32, #tpu.memory_space<hbm>> -> memref<512xi32, #tpu.memory_space<hbm>>
    tpu.wait_dma2 semaphore(%arg12 : memref<!tpu.dma_semaphore, #tpu.memory_space<semaphore_mem>>) src(%dma_wait3A_461 : memref<512xi32, #tpu.memory_space<hbm>>) dst(%dma_wait3A_459 : memref<512xi32, #tpu.memory_space<vmem>>)
    %dma_wait3A_462 = arith.constant 25 : i32
    %dma_wait3A_463 = arith.constant 6144 : i32
    %dma_wait3A_464 = tpu.memref_slice %arg7[%dma_wait3A_463] : memref<6656xi32, #tpu.memory_space<vmem>> -> memref<512xi32, #tpu.memory_space<vmem>>
    %dma_wait3A_465 = tpu.memref_slice %arg2[%dma_wait3A_462, %mul3A_2] : memref<26x16384xi32, #tpu.memory_space<hbm>> -> memref<1x512xi32, #tpu.memory_space<hbm>>
    %dma_wait3A_466 = tpu.memref_squeeze %dma_wait3A_465 : memref<1x512xi32, #tpu.memory_space<hbm>> -> memref<512xi32, #tpu.memory_space<hbm>>
    %dma_wait3A_467 = arith.constant 6144 : i32
    %dma_wait3A_468 = tpu.memref_slice %arg7[%dma_wait3A_467] : memref<6656xi32, #tpu.memory_space<vmem>> -> memref<512xi32, #tpu.memory_space<vmem>>
    %dma_wait3A_469 = tpu.memref_slice %arg2[%dma_wait3A_462, %mul3A_2] : memref<26x16384xi32, #tpu.memory_space<hbm>> -> memref<1x512xi32, #tpu.memory_space<hbm>>
    %dma_wait3A_470 = tpu.memref_squeeze %dma_wait3A_469 : memref<1x512xi32, #tpu.memory_space<hbm>> -> memref<512xi32, #tpu.memory_space<hbm>>
    tpu.wait_dma2 semaphore(%arg12 : memref<!tpu.dma_semaphore, #tpu.memory_space<semaphore_mem>>) src(%dma_wait3A_470 : memref<512xi32, #tpu.memory_space<hbm>>) dst(%dma_wait3A_468 : memref<512xi32, #tpu.memory_space<vmem>>)
    %dma_start3A_471 = arith.constant 0 : i32
    %dma_start3A_472 = tpu.memref_slice %arg4[%dma_start3A_471] : memref<1000000xf32, #tpu.memory_space<hbm>> -> memref<1000000xf32, #tpu.memory_space<hbm>>
    tpu.enqueue_indirect_dma source(%dma_start3A_472 : memref<1000000xf32, #tpu.memory_space<hbm>>) target(%arg10 : memref<6656xf32, #tpu.memory_space<vmem>>) offsets(%arg7 : memref<6656xi32, #tpu.memory_space<vmem>>) semaphore(%arg14 : memref<!tpu.dma_semaphore, #tpu.memory_space<semaphore_mem>>)
    "tpu.region"() ({
      %run_scoped3A = tpu.sem_alloc : memref<!tpu.dma_semaphore, #tpu.memory_space<semaphore_mem>>
      %dma_start3A_488 = arith.constant 0 : i32
      %dma_start3A_489 = tpu.memref_slice %arg3[%dma_start3A_488, %mul3A_2] : memref<26x16384xf32, #tpu.memory_space<hbm>> -> memref<26x512xf32, #tpu.memory_space<hbm>>
      %dma_start3A_490 = arith.constant 0 : i32
      %dma_start3A_491 = tpu.memref_slice %arg3[%dma_start3A_490, %mul3A_2] : memref<26x16384xf32, #tpu.memory_space<hbm>> -> memref<26x512xf32, #tpu.memory_space<hbm>>
      tpu.enqueue_dma source(%dma_start3A_491 : memref<26x512xf32, #tpu.memory_space<hbm>>) target(%arg8 : memref<26x512xf32, #tpu.memory_space<vmem>>) target_semaphore(%run_scoped3A : memref<!tpu.dma_semaphore, #tpu.memory_space<semaphore_mem>>)
      %dma_wait3A_492 = arith.constant 0 : i32
      %dma_wait3A_493 = tpu.memref_slice %arg3[%dma_wait3A_492, %mul3A_2] : memref<26x16384xf32, #tpu.memory_space<hbm>> -> memref<26x512xf32, #tpu.memory_space<hbm>>
      %dma_wait3A_494 = arith.constant 0 : i32
      %dma_wait3A_495 = tpu.memref_slice %arg3[%dma_wait3A_494, %mul3A_2] : memref<26x16384xf32, #tpu.memory_space<hbm>> -> memref<26x512xf32, #tpu.memory_space<hbm>>
      tpu.wait_dma2 semaphore(%run_scoped3A : memref<!tpu.dma_semaphore, #tpu.memory_space<semaphore_mem>>) src(%dma_wait3A_495 : memref<26x512xf32, #tpu.memory_space<hbm>>) dst(%arg8 : memref<26x512xf32, #tpu.memory_space<vmem>>)
      tpu.yield
    }) : () -> ()
    %dma_wait3A_473 = arith.constant 0 : i32
    %dma_wait3A_474 = tpu.memref_slice %arg4[%dma_wait3A_473] : memref<1000000xf32, #tpu.memory_space<hbm>> -> memref<1000000xf32, #tpu.memory_space<hbm>>
    tpu.wait_indirect_dma semaphore(%arg13 : memref<!tpu.dma_semaphore, #tpu.memory_space<semaphore_mem>>) src(%dma_wait3A_474 : memref<1000000xf32, #tpu.memory_space<hbm>>) dst(%arg9 : memref<6656xf32, #tpu.memory_space<vmem>>)
    %scan3A = arith.constant 0 : i32
    %scan3A_475 = arith.constant 0 : i32
    %scan3A_476 = arith.constant 32 : i32
    %scan3A_477 = arith.addi %scan3A_475, %scan3A_476 : i32
    %scan3A_478 = arith.constant 1 : i32
    scf.for %scan3A_488 = %scan3A_475 to %scan3A_477 step %scan3A_478  : i32 {
      %mul3A_489 = arith.constant 16 : i32
      %mul3A_490 = arith.muli %scan3A_488, %mul3A_489 : i32
      %broadcast_in_dim3A = arith.constant 0.000000e+00 : f32
      %broadcast_in_dim3A_491 = vector.broadcast %broadcast_in_dim3A : f32 to vector<16xf32>
      %mul3A_492 = arith.constant 16 : i32
      %mul3A_493 = arith.muli %scan3A_488, %mul3A_492 : i32
      %add3A_494 = arith.constant 0 : i32
      %add3A_495 = arith.addi %add3A_494, %mul3A_493 : i32
      %get3A = arith.index_cast %add3A_495 : i32 to index
      %get3A_496 = tpu.vector_load %arg9[%get3A] {strides = array<i32>} : memref<6656xf32, #tpu.memory_space<vmem>>, vector<16xf32>,
      %get3A_497 = vector.shape_cast %get3A_496 : vector<16xf32> to vector<16xf32>
      %get3A_498 = arith.constant 0 : i32
      %get3A_499 = arith.index_cast %get3A_498 : i32 to index
      %get3A_500 = arith.index_cast %mul3A_490 : i32 to index
      %get3A_501 = tpu.vector_load %arg8[%get3A_499, %get3A_500] {strides = array<i32>} : memref<26x512xf32, #tpu.memory_space<vmem>>, vector<1x16xf32>,
      %get3A_502 = vector.shape_cast %get3A_501 : vector<1x16xf32> to vector<16xf32>
      %mul3A_503 = arith.mulf %get3A_497, %get3A_502 : vector<16xf32>
      %add3A_504 = arith.addf %broadcast_in_dim3A_491, %mul3A_503 : vector<16xf32>
      %mul3A_505 = arith.constant 16 : i32
      %mul3A_506 = arith.muli %scan3A_488, %mul3A_505 : i32
      %add3A_507 = arith.constant 512 : i32
      %add3A_508 = arith.addi %add3A_507, %mul3A_506 : i32
      %get3A_509 = arith.index_cast %add3A_508 : i32 to index
      %get3A_510 = tpu.vector_load %arg9[%get3A_509] {strides = array<i32>} : memref<6656xf32, #tpu.memory_space<vmem>>, vector<16xf32>,
      %get3A_511 = vector.shape_cast %get3A_510 : vector<16xf32> to vector<16xf32>
      %get3A_512 = arith.constant 1 : i32
      %get3A_513 = arith.index_cast %get3A_512 : i32 to index
      %get3A_514 = arith.index_cast %mul3A_490 : i32 to index
      %get3A_515 = tpu.vector_load %arg8[%get3A_513, %get3A_514] {strides = array<i32>} : memref<26x512xf32, #tpu.memory_space<vmem>>, vector<1x16xf32>,
      %get3A_516 = vector.shape_cast %get3A_515 : vector<1x16xf32> to vector<16xf32>
      %mul3A_517 = arith.mulf %get3A_511, %get3A_516 : vector<16xf32>
      %add3A_518 = arith.addf %add3A_504, %mul3A_517 : vector<16xf32>
      %mul3A_519 = arith.constant 16 : i32
      %mul3A_520 = arith.muli %scan3A_488, %mul3A_519 : i32
      %add3A_521 = arith.constant 1024 : i32
      %add3A_522 = arith.addi %add3A_521, %mul3A_520 : i32
      %get3A_523 = arith.index_cast %add3A_522 : i32 to index
      %get3A_524 = tpu.vector_load %arg9[%get3A_523] {strides = array<i32>} : memref<6656xf32, #tpu.memory_space<vmem>>, vector<16xf32>,
      %get3A_525 = vector.shape_cast %get3A_524 : vector<16xf32> to vector<16xf32>
      %get3A_526 = arith.constant 2 : i32
      %get3A_527 = arith.index_cast %get3A_526 : i32 to index
      %get3A_528 = arith.index_cast %mul3A_490 : i32 to index
      %get3A_529 = tpu.vector_load %arg8[%get3A_527, %get3A_528] {strides = array<i32>} : memref<26x512xf32, #tpu.memory_space<vmem>>, vector<1x16xf32>,
      %get3A_530 = vector.shape_cast %get3A_529 : vector<1x16xf32> to vector<16xf32>
      %mul3A_531 = arith.mulf %get3A_525, %get3A_530 : vector<16xf32>
      %add3A_532 = arith.addf %add3A_518, %mul3A_531 : vector<16xf32>
      %mul3A_533 = arith.constant 16 : i32
      %mul3A_534 = arith.muli %scan3A_488, %mul3A_533 : i32
      %add3A_535 = arith.constant 1536 : i32
      %add3A_536 = arith.addi %add3A_535, %mul3A_534 : i32
      %get3A_537 = arith.index_cast %add3A_536 : i32 to index
      %get3A_538 = tpu.vector_load %arg9[%get3A_537] {strides = array<i32>} : memref<6656xf32, #tpu.memory_space<vmem>>, vector<16xf32>,
      %get3A_539 = vector.shape_cast %get3A_538 : vector<16xf32> to vector<16xf32>
      %get3A_540 = arith.constant 3 : i32
      %get3A_541 = arith.index_cast %get3A_540 : i32 to index
      %get3A_542 = arith.index_cast %mul3A_490 : i32 to index
      %get3A_543 = tpu.vector_load %arg8[%get3A_541, %get3A_542] {strides = array<i32>} : memref<26x512xf32, #tpu.memory_space<vmem>>, vector<1x16xf32>,
      %get3A_544 = vector.shape_cast %get3A_543 : vector<1x16xf32> to vector<16xf32>
      %mul3A_545 = arith.mulf %get3A_539, %get3A_544 : vector<16xf32>
      %add3A_546 = arith.addf %add3A_532, %mul3A_545 : vector<16xf32>
      %mul3A_547 = arith.constant 16 : i32
      %mul3A_548 = arith.muli %scan3A_488, %mul3A_547 : i32
      %add3A_549 = arith.constant 2048 : i32
      %add3A_550 = arith.addi %add3A_549, %mul3A_548 : i32
      %get3A_551 = arith.index_cast %add3A_550 : i32 to index
      %get3A_552 = tpu.vector_load %arg9[%get3A_551] {strides = array<i32>} : memref<6656xf32, #tpu.memory_space<vmem>>, vector<16xf32>,
      %get3A_553 = vector.shape_cast %get3A_552 : vector<16xf32> to vector<16xf32>
      %get3A_554 = arith.constant 4 : i32
      %get3A_555 = arith.index_cast %get3A_554 : i32 to index
      %get3A_556 = arith.index_cast %mul3A_490 : i32 to index
      %get3A_557 = tpu.vector_load %arg8[%get3A_555, %get3A_556] {strides = array<i32>} : memref<26x512xf32, #tpu.memory_space<vmem>>, vector<1x16xf32>,
      %get3A_558 = vector.shape_cast %get3A_557 : vector<1x16xf32> to vector<16xf32>
      %mul3A_559 = arith.mulf %get3A_553, %get3A_558 : vector<16xf32>
      %add3A_560 = arith.addf %add3A_546, %mul3A_559 : vector<16xf32>
      %mul3A_561 = arith.constant 16 : i32
      %mul3A_562 = arith.muli %scan3A_488, %mul3A_561 : i32
      %add3A_563 = arith.constant 2560 : i32
      %add3A_564 = arith.addi %add3A_563, %mul3A_562 : i32
      %get3A_565 = arith.index_cast %add3A_564 : i32 to index
      %get3A_566 = tpu.vector_load %arg9[%get3A_565] {strides = array<i32>} : memref<6656xf32, #tpu.memory_space<vmem>>, vector<16xf32>,
      %get3A_567 = vector.shape_cast %get3A_566 : vector<16xf32> to vector<16xf32>
      %get3A_568 = arith.constant 5 : i32
      %get3A_569 = arith.index_cast %get3A_568 : i32 to index
      %get3A_570 = arith.index_cast %mul3A_490 : i32 to index
      %get3A_571 = tpu.vector_load %arg8[%get3A_569, %get3A_570] {strides = array<i32>} : memref<26x512xf32, #tpu.memory_space<vmem>>, vector<1x16xf32>,
      %get3A_572 = vector.shape_cast %get3A_571 : vector<1x16xf32> to vector<16xf32>
      %mul3A_573 = arith.mulf %get3A_567, %get3A_572 : vector<16xf32>
      %add3A_574 = arith.addf %add3A_560, %mul3A_573 : vector<16xf32>
      %mul3A_575 = arith.constant 16 : i32
      %mul3A_576 = arith.muli %scan3A_488, %mul3A_575 : i32
      %add3A_577 = arith.constant 3072 : i32
      %add3A_578 = arith.addi %add3A_577, %mul3A_576 : i32
      %get3A_579 = arith.index_cast %add3A_578 : i32 to index
      %get3A_580 = tpu.vector_load %arg9[%get3A_579] {strides = array<i32>} : memref<6656xf32, #tpu.memory_space<vmem>>, vector<16xf32>,
      %get3A_581 = vector.shape_cast %get3A_580 : vector<16xf32> to vector<16xf32>
      %get3A_582 = arith.constant 6 : i32
      %get3A_583 = arith.index_cast %get3A_582 : i32 to index
      %get3A_584 = arith.index_cast %mul3A_490 : i32 to index
      %get3A_585 = tpu.vector_load %arg8[%get3A_583, %get3A_584] {strides = array<i32>} : memref<26x512xf32, #tpu.memory_space<vmem>>, vector<1x16xf32>,
      %get3A_586 = vector.shape_cast %get3A_585 : vector<1x16xf32> to vector<16xf32>
      %mul3A_587 = arith.mulf %get3A_581, %get3A_586 : vector<16xf32>
      %add3A_588 = arith.addf %add3A_574, %mul3A_587 : vector<16xf32>
      %mul3A_589 = arith.constant 16 : i32
      %mul3A_590 = arith.muli %scan3A_488, %mul3A_589 : i32
      %add3A_591 = arith.constant 3584 : i32
      %add3A_592 = arith.addi %add3A_591, %mul3A_590 : i32
      %get3A_593 = arith.index_cast %add3A_592 : i32 to index
      %get3A_594 = tpu.vector_load %arg9[%get3A_593] {strides = array<i32>} : memref<6656xf32, #tpu.memory_space<vmem>>, vector<16xf32>,
      %get3A_595 = vector.shape_cast %get3A_594 : vector<16xf32> to vector<16xf32>
      %get3A_596 = arith.constant 7 : i32
      %get3A_597 = arith.index_cast %get3A_596 : i32 to index
      %get3A_598 = arith.index_cast %mul3A_490 : i32 to index
      %get3A_599 = tpu.vector_load %arg8[%get3A_597, %get3A_598] {strides = array<i32>} : memref<26x512xf32, #tpu.memory_space<vmem>>, vector<1x16xf32>,
      %get3A_600 = vector.shape_cast %get3A_599 : vector<1x16xf32> to vector<16xf32>
      %mul3A_601 = arith.mulf %get3A_595, %get3A_600 : vector<16xf32>
      %add3A_602 = arith.addf %add3A_588, %mul3A_601 : vector<16xf32>
      %mul3A_603 = arith.constant 16 : i32
      %mul3A_604 = arith.muli %scan3A_488, %mul3A_603 : i32
      %add3A_605 = arith.constant 4096 : i32
      %add3A_606 = arith.addi %add3A_605, %mul3A_604 : i32
      %get3A_607 = arith.index_cast %add3A_606 : i32 to index
      %get3A_608 = tpu.vector_load %arg9[%get3A_607] {strides = array<i32>} : memref<6656xf32, #tpu.memory_space<vmem>>, vector<16xf32>,
      %get3A_609 = vector.shape_cast %get3A_608 : vector<16xf32> to vector<16xf32>
      %get3A_610 = arith.constant 8 : i32
      %get3A_611 = arith.index_cast %get3A_610 : i32 to index
      %get3A_612 = arith.index_cast %mul3A_490 : i32 to index
      %get3A_613 = tpu.vector_load %arg8[%get3A_611, %get3A_612] {strides = array<i32>} : memref<26x512xf32, #tpu.memory_space<vmem>>, vector<1x16xf32>,
      %get3A_614 = vector.shape_cast %get3A_613 : vector<1x16xf32> to vector<16xf32>
      %mul3A_615 = arith.mulf %get3A_609, %get3A_614 : vector<16xf32>
      %add3A_616 = arith.addf %add3A_602, %mul3A_615 : vector<16xf32>
      %mul3A_617 = arith.constant 16 : i32
      %mul3A_618 = arith.muli %scan3A_488, %mul3A_617 : i32
      %add3A_619 = arith.constant 4608 : i32
      %add3A_620 = arith.addi %add3A_619, %mul3A_618 : i32
      %get3A_621 = arith.index_cast %add3A_620 : i32 to index
      %get3A_622 = tpu.vector_load %arg9[%get3A_621] {strides = array<i32>} : memref<6656xf32, #tpu.memory_space<vmem>>, vector<16xf32>,
      %get3A_623 = vector.shape_cast %get3A_622 : vector<16xf32> to vector<16xf32>
      %get3A_624 = arith.constant 9 : i32
      %get3A_625 = arith.index_cast %get3A_624 : i32 to index
      %get3A_626 = arith.index_cast %mul3A_490 : i32 to index
      %get3A_627 = tpu.vector_load %arg8[%get3A_625, %get3A_626] {strides = array<i32>} : memref<26x512xf32, #tpu.memory_space<vmem>>, vector<1x16xf32>,
      %get3A_628 = vector.shape_cast %get3A_627 : vector<1x16xf32> to vector<16xf32>
      %mul3A_629 = arith.mulf %get3A_623, %get3A_628 : vector<16xf32>
      %add3A_630 = arith.addf %add3A_616, %mul3A_629 : vector<16xf32>
      %mul3A_631 = arith.constant 16 : i32
      %mul3A_632 = arith.muli %scan3A_488, %mul3A_631 : i32
      %add3A_633 = arith.constant 5120 : i32
      %add3A_634 = arith.addi %add3A_633, %mul3A_632 : i32
      %get3A_635 = arith.index_cast %add3A_634 : i32 to index
      %get3A_636 = tpu.vector_load %arg9[%get3A_635] {strides = array<i32>} : memref<6656xf32, #tpu.memory_space<vmem>>, vector<16xf32>,
      %get3A_637 = vector.shape_cast %get3A_636 : vector<16xf32> to vector<16xf32>
      %get3A_638 = arith.constant 10 : i32
      %get3A_639 = arith.index_cast %get3A_638 : i32 to index
      %get3A_640 = arith.index_cast %mul3A_490 : i32 to index
      %get3A_641 = tpu.vector_load %arg8[%get3A_639, %get3A_640] {strides = array<i32>} : memref<26x512xf32, #tpu.memory_space<vmem>>, vector<1x16xf32>,
      %get3A_642 = vector.shape_cast %get3A_641 : vector<1x16xf32> to vector<16xf32>
      %mul3A_643 = arith.mulf %get3A_637, %get3A_642 : vector<16xf32>
      %add3A_644 = arith.addf %add3A_630, %mul3A_643 : vector<16xf32>
      %mul3A_645 = arith.constant 16 : i32
      %mul3A_646 = arith.muli %scan3A_488, %mul3A_645 : i32
      %add3A_647 = arith.constant 5632 : i32
      %add3A_648 = arith.addi %add3A_647, %mul3A_646 : i32
      %get3A_649 = arith.index_cast %add3A_648 : i32 to index
      %get3A_650 = tpu.vector_load %arg9[%get3A_649] {strides = array<i32>} : memref<6656xf32, #tpu.memory_space<vmem>>, vector<16xf32>,
      %get3A_651 = vector.shape_cast %get3A_650 : vector<16xf32> to vector<16xf32>
      %get3A_652 = arith.constant 11 : i32
      %get3A_653 = arith.index_cast %get3A_652 : i32 to index
      %get3A_654 = arith.index_cast %mul3A_490 : i32 to index
      %get3A_655 = tpu.vector_load %arg8[%get3A_653, %get3A_654] {strides = array<i32>} : memref<26x512xf32, #tpu.memory_space<vmem>>, vector<1x16xf32>,
      %get3A_656 = vector.shape_cast %get3A_655 : vector<1x16xf32> to vector<16xf32>
      %mul3A_657 = arith.mulf %get3A_651, %get3A_656 : vector<16xf32>
      %add3A_658 = arith.addf %add3A_644, %mul3A_657 : vector<16xf32>
      %mul3A_659 = arith.constant 16 : i32
      %mul3A_660 = arith.muli %scan3A_488, %mul3A_659 : i32
      %add3A_661 = arith.constant 6144 : i32
      %add3A_662 = arith.addi %add3A_661, %mul3A_660 : i32
      %get3A_663 = arith.index_cast %add3A_662 : i32 to index
      %get3A_664 = tpu.vector_load %arg9[%get3A_663] {strides = array<i32>} : memref<6656xf32, #tpu.memory_space<vmem>>, vector<16xf32>,
      %get3A_665 = vector.shape_cast %get3A_664 : vector<16xf32> to vector<16xf32>
      %get3A_666 = arith.constant 12 : i32
      %get3A_667 = arith.index_cast %get3A_666 : i32 to index
      %get3A_668 = arith.index_cast %mul3A_490 : i32 to index
      %get3A_669 = tpu.vector_load %arg8[%get3A_667, %get3A_668] {strides = array<i32>} : memref<26x512xf32, #tpu.memory_space<vmem>>, vector<1x16xf32>,
      %get3A_670 = vector.shape_cast %get3A_669 : vector<1x16xf32> to vector<16xf32>
      %mul3A_671 = arith.mulf %get3A_665, %get3A_670 : vector<16xf32>
      %add3A_672 = arith.addf %add3A_658, %mul3A_671 : vector<16xf32>
      %swap3A = arith.index_cast %mul3A_490 : i32 to index
      %swap3A_673 = tpu.vector_load %arg11[%swap3A] {strides = array<i32>} : memref<512xf32, #tpu.memory_space<vmem>>, vector<16xf32>,
      %swap3A_674 = vector.shape_cast %swap3A_673 : vector<16xf32> to vector<16xf32>
      %swap3A_675 = vector.shape_cast %add3A_672 : vector<16xf32> to vector<16xf32>
      tpu.vector_store %arg11[%swap3A], %swap3A_675 {strides = array<i32>} : memref<512xf32, #tpu.memory_space<vmem>>, vector<16xf32>,
    }
    %scan3A_479 = arith.constant 32 : i32
    %dma_wait3A_480 = arith.constant 0 : i32
    %dma_wait3A_481 = tpu.memref_slice %arg4[%dma_wait3A_480] : memref<1000000xf32, #tpu.memory_space<hbm>> -> memref<1000000xf32, #tpu.memory_space<hbm>>
    tpu.wait_indirect_dma semaphore(%arg14 : memref<!tpu.dma_semaphore, #tpu.memory_space<semaphore_mem>>) src(%dma_wait3A_481 : memref<1000000xf32, #tpu.memory_space<hbm>>) dst(%arg10 : memref<6656xf32, #tpu.memory_space<vmem>>)
    %scan3A_482 = arith.constant 0 : i32
    %scan3A_483 = arith.constant 0 : i32
    %scan3A_484 = arith.constant 32 : i32
    %scan3A_485 = arith.addi %scan3A_483, %scan3A_484 : i32
    %scan3A_486 = arith.constant 1 : i32
    scf.for %scan3A_488 = %scan3A_483 to %scan3A_485 step %scan3A_486  : i32 {
      %mul3A_489 = arith.constant 16 : i32
      %mul3A_490 = arith.muli %scan3A_488, %mul3A_489 : i32
      %get3A = arith.index_cast %mul3A_490 : i32 to index
      %get3A_491 = tpu.vector_load %arg11[%get3A] {strides = array<i32>} : memref<512xf32, #tpu.memory_space<vmem>>, vector<16xf32>,
      %get3A_492 = vector.shape_cast %get3A_491 : vector<16xf32> to vector<16xf32>
      %mul3A_493 = arith.constant 16 : i32
      %mul3A_494 = arith.muli %scan3A_488, %mul3A_493 : i32
      %add3A_495 = arith.constant 0 : i32
      %add3A_496 = arith.addi %add3A_495, %mul3A_494 : i32
      %get3A_497 = arith.index_cast %add3A_496 : i32 to index
      %get3A_498 = tpu.vector_load %arg10[%get3A_497] {strides = array<i32>} : memref<6656xf32, #tpu.memory_space<vmem>>, vector<16xf32>,
      %get3A_499 = vector.shape_cast %get3A_498 : vector<16xf32> to vector<16xf32>
      %get3A_500 = arith.constant 13 : i32
      %get3A_501 = arith.index_cast %get3A_500 : i32 to index
      %get3A_502 = arith.index_cast %mul3A_490 : i32 to index
      %get3A_503 = tpu.vector_load %arg8[%get3A_501, %get3A_502] {strides = array<i32>} : memref<26x512xf32, #tpu.memory_space<vmem>>, vector<1x16xf32>,
      %get3A_504 = vector.shape_cast %get3A_503 : vector<1x16xf32> to vector<16xf32>
      %mul3A_505 = arith.mulf %get3A_499, %get3A_504 : vector<16xf32>
      %add3A_506 = arith.addf %get3A_492, %mul3A_505 : vector<16xf32>
      %mul3A_507 = arith.constant 16 : i32
      %mul3A_508 = arith.muli %scan3A_488, %mul3A_507 : i32
      %add3A_509 = arith.constant 512 : i32
      %add3A_510 = arith.addi %add3A_509, %mul3A_508 : i32
      %get3A_511 = arith.index_cast %add3A_510 : i32 to index
      %get3A_512 = tpu.vector_load %arg10[%get3A_511] {strides = array<i32>} : memref<6656xf32, #tpu.memory_space<vmem>>, vector<16xf32>,
      %get3A_513 = vector.shape_cast %get3A_512 : vector<16xf32> to vector<16xf32>
      %get3A_514 = arith.constant 14 : i32
      %get3A_515 = arith.index_cast %get3A_514 : i32 to index
      %get3A_516 = arith.index_cast %mul3A_490 : i32 to index
      %get3A_517 = tpu.vector_load %arg8[%get3A_515, %get3A_516] {strides = array<i32>} : memref<26x512xf32, #tpu.memory_space<vmem>>, vector<1x16xf32>,
      %get3A_518 = vector.shape_cast %get3A_517 : vector<1x16xf32> to vector<16xf32>
      %mul3A_519 = arith.mulf %get3A_513, %get3A_518 : vector<16xf32>
      %add3A_520 = arith.addf %add3A_506, %mul3A_519 : vector<16xf32>
      %mul3A_521 = arith.constant 16 : i32
      %mul3A_522 = arith.muli %scan3A_488, %mul3A_521 : i32
      %add3A_523 = arith.constant 1024 : i32
      %add3A_524 = arith.addi %add3A_523, %mul3A_522 : i32
      %get3A_525 = arith.index_cast %add3A_524 : i32 to index
      %get3A_526 = tpu.vector_load %arg10[%get3A_525] {strides = array<i32>} : memref<6656xf32, #tpu.memory_space<vmem>>, vector<16xf32>,
      %get3A_527 = vector.shape_cast %get3A_526 : vector<16xf32> to vector<16xf32>
      %get3A_528 = arith.constant 15 : i32
      %get3A_529 = arith.index_cast %get3A_528 : i32 to index
      %get3A_530 = arith.index_cast %mul3A_490 : i32 to index
      %get3A_531 = tpu.vector_load %arg8[%get3A_529, %get3A_530] {strides = array<i32>} : memref<26x512xf32, #tpu.memory_space<vmem>>, vector<1x16xf32>,
      %get3A_532 = vector.shape_cast %get3A_531 : vector<1x16xf32> to vector<16xf32>
      %mul3A_533 = arith.mulf %get3A_527, %get3A_532 : vector<16xf32>
      %add3A_534 = arith.addf %add3A_520, %mul3A_533 : vector<16xf32>
      %mul3A_535 = arith.constant 16 : i32
      %mul3A_536 = arith.muli %scan3A_488, %mul3A_535 : i32
      %add3A_537 = arith.constant 1536 : i32
      %add3A_538 = arith.addi %add3A_537, %mul3A_536 : i32
      %get3A_539 = arith.index_cast %add3A_538 : i32 to index
      %get3A_540 = tpu.vector_load %arg10[%get3A_539] {strides = array<i32>} : memref<6656xf32, #tpu.memory_space<vmem>>, vector<16xf32>,
      %get3A_541 = vector.shape_cast %get3A_540 : vector<16xf32> to vector<16xf32>
      %get3A_542 = arith.constant 16 : i32
      %get3A_543 = arith.index_cast %get3A_542 : i32 to index
      %get3A_544 = arith.index_cast %mul3A_490 : i32 to index
      %get3A_545 = tpu.vector_load %arg8[%get3A_543, %get3A_544] {strides = array<i32>} : memref<26x512xf32, #tpu.memory_space<vmem>>, vector<1x16xf32>,
      %get3A_546 = vector.shape_cast %get3A_545 : vector<1x16xf32> to vector<16xf32>
      %mul3A_547 = arith.mulf %get3A_541, %get3A_546 : vector<16xf32>
      %add3A_548 = arith.addf %add3A_534, %mul3A_547 : vector<16xf32>
      %mul3A_549 = arith.constant 16 : i32
      %mul3A_550 = arith.muli %scan3A_488, %mul3A_549 : i32
      %add3A_551 = arith.constant 2048 : i32
      %add3A_552 = arith.addi %add3A_551, %mul3A_550 : i32
      %get3A_553 = arith.index_cast %add3A_552 : i32 to index
      %get3A_554 = tpu.vector_load %arg10[%get3A_553] {strides = array<i32>} : memref<6656xf32, #tpu.memory_space<vmem>>, vector<16xf32>,
      %get3A_555 = vector.shape_cast %get3A_554 : vector<16xf32> to vector<16xf32>
      %get3A_556 = arith.constant 17 : i32
      %get3A_557 = arith.index_cast %get3A_556 : i32 to index
      %get3A_558 = arith.index_cast %mul3A_490 : i32 to index
      %get3A_559 = tpu.vector_load %arg8[%get3A_557, %get3A_558] {strides = array<i32>} : memref<26x512xf32, #tpu.memory_space<vmem>>, vector<1x16xf32>,
      %get3A_560 = vector.shape_cast %get3A_559 : vector<1x16xf32> to vector<16xf32>
      %mul3A_561 = arith.mulf %get3A_555, %get3A_560 : vector<16xf32>
      %add3A_562 = arith.addf %add3A_548, %mul3A_561 : vector<16xf32>
      %mul3A_563 = arith.constant 16 : i32
      %mul3A_564 = arith.muli %scan3A_488, %mul3A_563 : i32
      %add3A_565 = arith.constant 2560 : i32
      %add3A_566 = arith.addi %add3A_565, %mul3A_564 : i32
      %get3A_567 = arith.index_cast %add3A_566 : i32 to index
      %get3A_568 = tpu.vector_load %arg10[%get3A_567] {strides = array<i32>} : memref<6656xf32, #tpu.memory_space<vmem>>, vector<16xf32>,
      %get3A_569 = vector.shape_cast %get3A_568 : vector<16xf32> to vector<16xf32>
      %get3A_570 = arith.constant 18 : i32
      %get3A_571 = arith.index_cast %get3A_570 : i32 to index
      %get3A_572 = arith.index_cast %mul3A_490 : i32 to index
      %get3A_573 = tpu.vector_load %arg8[%get3A_571, %get3A_572] {strides = array<i32>} : memref<26x512xf32, #tpu.memory_space<vmem>>, vector<1x16xf32>,
      %get3A_574 = vector.shape_cast %get3A_573 : vector<1x16xf32> to vector<16xf32>
      %mul3A_575 = arith.mulf %get3A_569, %get3A_574 : vector<16xf32>
      %add3A_576 = arith.addf %add3A_562, %mul3A_575 : vector<16xf32>
      %mul3A_577 = arith.constant 16 : i32
      %mul3A_578 = arith.muli %scan3A_488, %mul3A_577 : i32
      %add3A_579 = arith.constant 3072 : i32
      %add3A_580 = arith.addi %add3A_579, %mul3A_578 : i32
      %get3A_581 = arith.index_cast %add3A_580 : i32 to index
      %get3A_582 = tpu.vector_load %arg10[%get3A_581] {strides = array<i32>} : memref<6656xf32, #tpu.memory_space<vmem>>, vector<16xf32>,
      %get3A_583 = vector.shape_cast %get3A_582 : vector<16xf32> to vector<16xf32>
      %get3A_584 = arith.constant 19 : i32
      %get3A_585 = arith.index_cast %get3A_584 : i32 to index
      %get3A_586 = arith.index_cast %mul3A_490 : i32 to index
      %get3A_587 = tpu.vector_load %arg8[%get3A_585, %get3A_586] {strides = array<i32>} : memref<26x512xf32, #tpu.memory_space<vmem>>, vector<1x16xf32>,
      %get3A_588 = vector.shape_cast %get3A_587 : vector<1x16xf32> to vector<16xf32>
      %mul3A_589 = arith.mulf %get3A_583, %get3A_588 : vector<16xf32>
      %add3A_590 = arith.addf %add3A_576, %mul3A_589 : vector<16xf32>
      %mul3A_591 = arith.constant 16 : i32
      %mul3A_592 = arith.muli %scan3A_488, %mul3A_591 : i32
      %add3A_593 = arith.constant 3584 : i32
      %add3A_594 = arith.addi %add3A_593, %mul3A_592 : i32
      %get3A_595 = arith.index_cast %add3A_594 : i32 to index
      %get3A_596 = tpu.vector_load %arg10[%get3A_595] {strides = array<i32>} : memref<6656xf32, #tpu.memory_space<vmem>>, vector<16xf32>,
      %get3A_597 = vector.shape_cast %get3A_596 : vector<16xf32> to vector<16xf32>
      %get3A_598 = arith.constant 20 : i32
      %get3A_599 = arith.index_cast %get3A_598 : i32 to index
      %get3A_600 = arith.index_cast %mul3A_490 : i32 to index
      %get3A_601 = tpu.vector_load %arg8[%get3A_599, %get3A_600] {strides = array<i32>} : memref<26x512xf32, #tpu.memory_space<vmem>>, vector<1x16xf32>,
      %get3A_602 = vector.shape_cast %get3A_601 : vector<1x16xf32> to vector<16xf32>
      %mul3A_603 = arith.mulf %get3A_597, %get3A_602 : vector<16xf32>
      %add3A_604 = arith.addf %add3A_590, %mul3A_603 : vector<16xf32>
      %mul3A_605 = arith.constant 16 : i32
      %mul3A_606 = arith.muli %scan3A_488, %mul3A_605 : i32
      %add3A_607 = arith.constant 4096 : i32
      %add3A_608 = arith.addi %add3A_607, %mul3A_606 : i32
      %get3A_609 = arith.index_cast %add3A_608 : i32 to index
      %get3A_610 = tpu.vector_load %arg10[%get3A_609] {strides = array<i32>} : memref<6656xf32, #tpu.memory_space<vmem>>, vector<16xf32>,
      %get3A_611 = vector.shape_cast %get3A_610 : vector<16xf32> to vector<16xf32>
      %get3A_612 = arith.constant 21 : i32
      %get3A_613 = arith.index_cast %get3A_612 : i32 to index
      %get3A_614 = arith.index_cast %mul3A_490 : i32 to index
      %get3A_615 = tpu.vector_load %arg8[%get3A_613, %get3A_614] {strides = array<i32>} : memref<26x512xf32, #tpu.memory_space<vmem>>, vector<1x16xf32>,
      %get3A_616 = vector.shape_cast %get3A_615 : vector<1x16xf32> to vector<16xf32>
      %mul3A_617 = arith.mulf %get3A_611, %get3A_616 : vector<16xf32>
      %add3A_618 = arith.addf %add3A_604, %mul3A_617 : vector<16xf32>
      %mul3A_619 = arith.constant 16 : i32
      %mul3A_620 = arith.muli %scan3A_488, %mul3A_619 : i32
      %add3A_621 = arith.constant 4608 : i32
      %add3A_622 = arith.addi %add3A_621, %mul3A_620 : i32
      %get3A_623 = arith.index_cast %add3A_622 : i32 to index
      %get3A_624 = tpu.vector_load %arg10[%get3A_623] {strides = array<i32>} : memref<6656xf32, #tpu.memory_space<vmem>>, vector<16xf32>,
      %get3A_625 = vector.shape_cast %get3A_624 : vector<16xf32> to vector<16xf32>
      %get3A_626 = arith.constant 22 : i32
      %get3A_627 = arith.index_cast %get3A_626 : i32 to index
      %get3A_628 = arith.index_cast %mul3A_490 : i32 to index
      %get3A_629 = tpu.vector_load %arg8[%get3A_627, %get3A_628] {strides = array<i32>} : memref<26x512xf32, #tpu.memory_space<vmem>>, vector<1x16xf32>,
      %get3A_630 = vector.shape_cast %get3A_629 : vector<1x16xf32> to vector<16xf32>
      %mul3A_631 = arith.mulf %get3A_625, %get3A_630 : vector<16xf32>
      %add3A_632 = arith.addf %add3A_618, %mul3A_631 : vector<16xf32>
      %mul3A_633 = arith.constant 16 : i32
      %mul3A_634 = arith.muli %scan3A_488, %mul3A_633 : i32
      %add3A_635 = arith.constant 5120 : i32
      %add3A_636 = arith.addi %add3A_635, %mul3A_634 : i32
      %get3A_637 = arith.index_cast %add3A_636 : i32 to index
      %get3A_638 = tpu.vector_load %arg10[%get3A_637] {strides = array<i32>} : memref<6656xf32, #tpu.memory_space<vmem>>, vector<16xf32>,
      %get3A_639 = vector.shape_cast %get3A_638 : vector<16xf32> to vector<16xf32>
      %get3A_640 = arith.constant 23 : i32
      %get3A_641 = arith.index_cast %get3A_640 : i32 to index
      %get3A_642 = arith.index_cast %mul3A_490 : i32 to index
      %get3A_643 = tpu.vector_load %arg8[%get3A_641, %get3A_642] {strides = array<i32>} : memref<26x512xf32, #tpu.memory_space<vmem>>, vector<1x16xf32>,
      %get3A_644 = vector.shape_cast %get3A_643 : vector<1x16xf32> to vector<16xf32>
      %mul3A_645 = arith.mulf %get3A_639, %get3A_644 : vector<16xf32>
      %add3A_646 = arith.addf %add3A_632, %mul3A_645 : vector<16xf32>
      %mul3A_647 = arith.constant 16 : i32
      %mul3A_648 = arith.muli %scan3A_488, %mul3A_647 : i32
      %add3A_649 = arith.constant 5632 : i32
      %add3A_650 = arith.addi %add3A_649, %mul3A_648 : i32
      %get3A_651 = arith.index_cast %add3A_650 : i32 to index
      %get3A_652 = tpu.vector_load %arg10[%get3A_651] {strides = array<i32>} : memref<6656xf32, #tpu.memory_space<vmem>>, vector<16xf32>,
      %get3A_653 = vector.shape_cast %get3A_652 : vector<16xf32> to vector<16xf32>
      %get3A_654 = arith.constant 24 : i32
      %get3A_655 = arith.index_cast %get3A_654 : i32 to index
      %get3A_656 = arith.index_cast %mul3A_490 : i32 to index
      %get3A_657 = tpu.vector_load %arg8[%get3A_655, %get3A_656] {strides = array<i32>} : memref<26x512xf32, #tpu.memory_space<vmem>>, vector<1x16xf32>,
      %get3A_658 = vector.shape_cast %get3A_657 : vector<1x16xf32> to vector<16xf32>
      %mul3A_659 = arith.mulf %get3A_653, %get3A_658 : vector<16xf32>
      %add3A_660 = arith.addf %add3A_646, %mul3A_659 : vector<16xf32>
      %mul3A_661 = arith.constant 16 : i32
      %mul3A_662 = arith.muli %scan3A_488, %mul3A_661 : i32
      %add3A_663 = arith.constant 6144 : i32
      %add3A_664 = arith.addi %add3A_663, %mul3A_662 : i32
      %get3A_665 = arith.index_cast %add3A_664 : i32 to index
      %get3A_666 = tpu.vector_load %arg10[%get3A_665] {strides = array<i32>} : memref<6656xf32, #tpu.memory_space<vmem>>, vector<16xf32>,
      %get3A_667 = vector.shape_cast %get3A_666 : vector<16xf32> to vector<16xf32>
      %get3A_668 = arith.constant 25 : i32
      %get3A_669 = arith.index_cast %get3A_668 : i32 to index
      %get3A_670 = arith.index_cast %mul3A_490 : i32 to index
      %get3A_671 = tpu.vector_load %arg8[%get3A_669, %get3A_670] {strides = array<i32>} : memref<26x512xf32, #tpu.memory_space<vmem>>, vector<1x16xf32>,
      %get3A_672 = vector.shape_cast %get3A_671 : vector<1x16xf32> to vector<16xf32>
      %mul3A_673 = arith.mulf %get3A_667, %get3A_672 : vector<16xf32>
      %add3A_674 = arith.addf %add3A_660, %mul3A_673 : vector<16xf32>
      %swap3A = arith.index_cast %mul3A_490 : i32 to index
      %swap3A_675 = tpu.vector_load %arg11[%swap3A] {strides = array<i32>} : memref<512xf32, #tpu.memory_space<vmem>>, vector<16xf32>,
      %swap3A_676 = vector.shape_cast %swap3A_675 : vector<16xf32> to vector<16xf32>
      %swap3A_677 = vector.shape_cast %add3A_674 : vector<16xf32> to vector<16xf32>
      tpu.vector_store %arg11[%swap3A], %swap3A_677 {strides = array<i32>} : memref<512xf32, #tpu.memory_space<vmem>>, vector<16xf32>,
    }
    %scan3A_487 = arith.constant 32 : i32
    "tpu.region"() ({
      %run_scoped3A = tpu.sem_alloc : memref<!tpu.dma_semaphore, #tpu.memory_space<semaphore_mem>>
      %dma_start3A_488 = tpu.memref_slice %arg5[%mul3A_2] : memref<16384xf32, #tpu.memory_space<hbm>> -> memref<512xf32, #tpu.memory_space<hbm>>
      %dma_start3A_489 = tpu.memref_slice %arg5[%mul3A_2] : memref<16384xf32, #tpu.memory_space<hbm>> -> memref<512xf32, #tpu.memory_space<hbm>>
      tpu.enqueue_dma source(%arg11 : memref<512xf32, #tpu.memory_space<vmem>>) target(%dma_start3A_489 : memref<512xf32, #tpu.memory_space<hbm>>) target_semaphore(%run_scoped3A : memref<!tpu.dma_semaphore, #tpu.memory_space<semaphore_mem>>)
      %dma_wait3A_490 = tpu.memref_slice %arg5[%mul3A_2] : memref<16384xf32, #tpu.memory_space<hbm>> -> memref<512xf32, #tpu.memory_space<hbm>>
      %dma_wait3A_491 = tpu.memref_slice %arg5[%mul3A_2] : memref<16384xf32, #tpu.memory_space<hbm>> -> memref<512xf32, #tpu.memory_space<hbm>>
      tpu.wait_dma2 semaphore(%run_scoped3A : memref<!tpu.dma_semaphore, #tpu.memory_space<semaphore_mem>>) src(%arg11 : memref<512xf32, #tpu.memory_space<vmem>>) dst(%dma_wait3A_491 : memref<512xf32, #tpu.memory_space<hbm>>)
      tpu.yield
    }) : () -> ()
    return
  }
}

</mosaic_0001>

<sc_bundles>
// kernel: kernel.3.cloned.1.call-start
scs
__scs_entry_jumppad:
0x0: {  	(pc) =	sbr.rel $0x88, $3  }
0x1: {  	(tag) =	ssettag $0x0;
	lr =	simm.s32 $0x1  }
0x2: {  	[smem:$0x3F9E] =	sst lr;
	_ =	strace $0xD0000000  }
0x3: {  	_ = 	snop  }
0x4: {  	_ = 	snop  }
0x5: {  	_ = 	snop  }
0x6: {  	_ = 	snop  }
0x7: {  	_ = 	snop  }
__scs_overlays_trampoline_lowered:
0x8: {  	[smem:$0x3FAD] =	sst s0  }
0x9: {  	[smem:$0x3FAE] =	sst s1  }
0xa: {  	[smem:$0x3FAF] =	sst s2  }
0xb: {  	[smem:$0x3FB0] =	sst s3  }
0xc: {  	[smem:$0x3FB1] =	sst s4  }
0xd: {  	[smem:$0x3FB2] =	sst s5  }
0xe: {  	[smem:$0x3FB3] =	sst s6  }
0xf: {  	[smem:$0x3FB4] =	sst s7  }
0x10: {  	[smem:$0x3FB5] =	sst s8  }
0x11: {  	[smem:$0x3FB6] =	sst s9;
	s0 =	simm.s32 @!p0 $0x0  }
0x12: {  	s1 =	sld [smem:$0x3F9C];
	s0 =	simm.s32 @p0 $0x1  }
0x13: {  	[smem:$0x3FB7] =	sst s0;
	s0 =	simm.s32 @!p1 $0x0  }
0x14: {  	s2 =	sld [smem:$0x3F9B];
	s0 =	simm.s32 @p1 $0x1  }
0x15: {  	[smem:$0x3FB8] =	sst s0;
	s0 =	simm.s32 @!p2 $0x0  }
0x16: {  	s3 =	sld [smem:$0x3FDB];
	s0 =	simm.s32 @p2 $0x1  }
0x17: {  	s4 =	simm.s32 $0x1BF5;
	[smem:$0x3FBA] =	sst s0  }
0x18: {  	s0 =	sld [smem:$0x3F9D];
	_ =	swait.ge [sflag:s4], $0x0  }
0x19: {  	s7 =	sld [smem:$0x3F9E]  }
0x1a: {  	s8 =	sadd.s32 $0xFFFFE003, lr  }
0x1b: {  	s9 =	sadd.s32 $0xFFFFFEF7, lr;
	s5 =	simm.s32 $0xFFFFFFFF;
	p2 =	slt.u32 s8, $0xFFFFF086  }
0x1c: {  	p1 =	slt.u32 s9, $0xF7A;
	s5 =	simm.s32 @!p2 $0x0  }
0x1d: {  	s5 =	simm.s32 @p1 $0x1;
	p0 =	seq.s32 s7, s2  }
0x1e: {  	s7 =	smul.u32 @!p0 $0xF7A, s2;
	p2 =	seq.s32 @!p0 s5, $0x0  }
0x1f: {  	s9 =	smul.u32 $0xF7A, s1;
	s8 =	simm.s32 @!p0 $0x1BF5;
	p2 =	por !p2, p0  }
0x20: {  	[sflag:s8] =	ssyncset.s32 @!p0 $0xFFFFF086;
	s6 =	sadd.s32 @!p0 s3, s7;
	s7 =	simm.s32 @!p0 $0x108  }
0x21: {  	s3 =	sadd.s32 s3, s9;
	s6 =	sadd.s32 @!p0 $0x88, s6;
	s7 =	simm.s32 @p2 $0x1082  }
0x22: {  	[simem:s7], [sflag:s8] =	dma.local @!p0 [hbm:s6], $0xF7A  }
0x23: {  	s9 =	sor.u32 $0xD0000000, s2;
	s6 =	simm.s32 $0x108;
	_ =	swait.ge @!p0 [sflag:s8], $0x0  }
0x24: {  	s3 =	sadd.s32 $0x88, s3;
	s6 =	simm.s32 @!p1 $0x1082;
	[sflag:s4] =	ssyncset.s32 $0xFFFFF086  }
0x25: {  	[simem:s6], [sflag:s4] =	dma.local [hbm:s3], $0xF7A  }
0x26: {  	[smem:$0x3F9E] =	sst s1;
	(tag) =	ssettag s2;
	_ =	strace s9  }
0x27: {  	s1 =	sld [smem:$0x3FAE]  }
0x28: {  	s2 =	sld [smem:$0x3FAF]  }
0x29: {  	s4 =	sld [smem:$0x3FB1]  }
0x2a: {  	p0 =	seq.s32 s5, $0x0;
	s5 =	sld [smem:$0x3FB2]  }
0x2b: {  	s6 =	sld [smem:$0x3FB3]  }
0x2c: {  	s7 =	sld [smem:$0x3FB4]  }
0x2d: {  	s3 =	simm.s32 $0x108;
	s8 =	sld [smem:$0x3FB5]  }
0x2e: {  	s3 =	simm.s32 @!p0 $0x1082;
	s9 =	sld [smem:$0x3FB6]  }
0x2f: {  	lr =	sadd.s32 s0, s3;
	s0 =	sld [smem:$0x3FAD]  }
0x30: {  	s3 =	sld [smem:$0x3FB0]  }
0x31: {  	[smem:$0x3FB9] =	sst s10  }
0x32: {  	s10 =	sld [smem:$0x3FB7];
	_ =	sdelay $0x3  }
0x33: {  	p0 =	seq.s32 s10, $0x1;
	s10 =	sld [smem:$0x3FB9];
	_ =	sdelay $0x3  }
0x34: {  	[smem:$0x3FB9] =	sst s10  }
0x35: {  	s10 =	sld [smem:$0x3FB8];
	_ =	sdelay $0x3  }
0x36: {  	p1 =	seq.s32 s10, $0x1;
	s10 =	sld [smem:$0x3FB9];
	_ =	sdelay $0x3  }
0x37: {  	[smem:$0x3FB9] =	sst s10  }
0x38: {  	s10 =	sld [smem:$0x3FBA]  }
0x39: {  	_ = 	snop;
	(pc) =	sbr.ind lr, $3  }
0x3a: {  	_ = 	snop  }
0x3b: {  	_ = 	snop  }
0x3c: {  	p2 =	seq.s32 s10, $0x1;
	s10 =	sld [smem:$0x3FB9]  }
0x3d: {  	_ =	shalt  }
0x3e: {  	_ =	shalt  }
0x3f: {  	_ =	shalt  }
0x40: {  	_ =	shalt  }
0x41: {  	_ =	shalt  }
0x42: {  	_ =	shalt  }
0x43: {  	_ =	shalt  }
0x44: {  	_ =	shalt  }
0x45: {  	_ =	shalt  }
0x46: {  	_ =	shalt  }
0x47: {  	_ =	shalt  }
0x48: {  	_ =	shalt  }
0x49: {  	_ =	shalt  }
0x4a: {  	_ =	shalt  }
0x4b: {  	_ =	shalt  }
0x4c: {  	_ =	shalt  }
0x4d: {  	_ =	shalt  }
0x4e: {  	_ =	shalt  }
0x4f: {  	_ =	shalt  }
0x50: {  	_ =	shalt  }
0x51: {  	_ =	shalt  }
0x52: {  	_ =	shalt  }
0x53: {  	_ =	shalt  }
0x54: {  	_ =	shalt  }
0x55: {  	_ =	shalt  }
0x56: {  	_ =	shalt  }
0x57: {  	_ =	shalt  }
0x58: {  	_ =	shalt  }
0x59: {  	_ =	shalt  }
0x5a: {  	_ =	shalt  }
0x5b: {  	_ =	shalt  }
0x5c: {  	_ =	shalt  }
0x5d: {  	_ =	shalt  }
0x5e: {  	_ =	shalt  }
0x5f: {  	_ =	shalt  }
0x60: {  	_ =	shalt  }
0x61: {  	_ =	shalt  }
0x62: {  	_ =	shalt  }
0x63: {  	_ =	shalt  }
0x64: {  	_ =	shalt  }
0x65: {  	_ =	shalt  }
0x66: {  	_ =	shalt  }
0x67: {  	_ =	shalt  }
0x68: {  	_ =	shalt  }
0x69: {  	_ =	shalt  }
0x6a: {  	_ =	shalt  }
0x6b: {  	_ =	shalt  }
0x6c: {  	_ =	shalt  }
0x6d: {  	_ =	shalt  }
0x6e: {  	_ =	shalt  }
0x6f: {  	_ =	shalt  }
0x70: {  	_ =	shalt  }
0x71: {  	_ =	shalt  }
0x72: {  	_ =	shalt  }
0x73: {  	_ =	shalt  }
0x74: {  	_ =	shalt  }
0x75: {  	_ =	shalt  }
0x76: {  	_ =	shalt  }
0x77: {  	_ =	shalt  }
0x78: {  	_ =	shalt  }
0x79: {  	_ =	shalt  }
0x7a: {  	_ =	shalt  }
0x7b: {  	_ =	shalt  }
0x7c: {  	_ =	shalt  }
0x7d: {  	_ =	shalt  }
0x7e: {  	_ =	shalt  }
0x7f: {  	_ =	shalt  }
0x80: {  	_ =	shalt  }
0x81: {  	_ =	shalt  }
0x82: {  	_ =	shalt  }
0x83: {  	_ =	shalt  }
0x84: {  	_ =	shalt  }
0x85: {  	_ =	shalt  }
0x86: {  	_ =	shalt  }
0x87: {  	_ =	shalt  }
.Lfunc_end0:
.L_simem_size_0:
called_computation_lowered:
.L_overlay_start_0:
0x88: {  	s2 =	sld [smem:$0x3FD9]  }
0x89: {  	s3 =	sld [smem:$0x3FFE];
	_ =	sdelay $0x1  }
0x8a: {  	s1 =	srdreg.scid  }
0x8b: {  	s0 =	sand.u32 $0x1, s1  }
0x8c: {  	s17 =	sshll.u32 s0, $0xA;
	s2 =	sadd.s32 s3, s2  }
0x8d: {  	s2 =	sadd.s32 s2, s17  }
0x8e: {  	[smem:$0x3FC5] =	sst s2  }
0x8f: {  	_ = 	snop  }
0x90: {  	s2 =	sld [smem:$0x3FC9]  }
0x91: {  	s18 =	sld [smem:$0x3FC8]  }
0x92: {  	s4 =	sld [smem:$0x3FD0];
	(tm) =	ssettm $0x1  }
0x93: {  	s5 =	sld [smem:$0x3FFB];
	_ =	sdelay $0x3  }
0x94: {  	_ =	strace s5  }
0x95: {  	s5 =	sld [smem:$0x3FFC];
	_ =	sdelay $0x3  }
0x96: {  	_ =	strace s5  }
0x97: {  	s5 =	sld [smem:$0x3FFD];
	_ =	sdelay $0x3  }
0x98: {  	_ =	strace s5  }
0x99: {  	_ =	strace $0x8FFFFFFF  }
0x9a: {  	s19 =	sld [smem:$0x3FDB];
	_ =	sdelay $0x1  }
0x9b: {  	s6 =	simm.s32 $_scs_section_size  }
0x9c: {  	s7 =	simm.s32 $_size__tile_overlayer_lowered;
	s8 =	simm.s32 $_tile_overlayer_lowered  }
0x9d: {  	s22 =	simm.s32 $0x1BFF;
	s21 =	sshll.u32 s8, $0x1;
	s5 =	sadd.s32 s6, s19  }
0x9e: {  	s9 =	simm.s32 $0x0;
	s20 =	sshll.u32 s7, $0x1;
	s7 =	sadd.s32 s21, s5  }
0x9f: {  	[timem:s9], [sflag:s22] =	dma.local [hbm:s7], s20  }
0xa0: {  	_ =	swait.ge [sflag:s22], s20  }
0xa1: {  	s6 =	ssub.s32 $0x0, s20;
	[sflag:s22] =	ssyncset.done $0x0  }
0xa2: {  	[sflag:s22] =	ssyncadd.s32 s6;
	_ =	sdelay $0x1  }
0xa3: {  	s23 =	simm.s32 $0x1B8B  }
0xa4: {  	_ =	swait.ge [sflag:s23], $0x1  }
0xa5: {  	[sflag:s23] =	ssyncset.done $0x0  }
0xa6: {  	s25 =	simm.s32 $0x1B8E;
	s24 =	sld [smem:$0x3FFE];
	[sflag:s23] =	ssyncadd.s32 $0xFFFFFFFF  }
0xa7: {  	s26 =	simm.s32 $execute0_lowered;
	[smem:$0x3FD2] =	sst s25  }
0xa8: {  	s7 =	sshll.u32 s26, $0x1;
	_ =	strace $0x80000046;
	[dreg:$0x1] =	wrdreg $0xFFFFFFFF  }
0xa9: {  	s28 =	simm.s32 $_size_execute0_lowered;
	s5 =	sadd.s32 s5, s7;
	[dreg:$0x0] =	wrdreg $0x0  }
0xaa: {  	s7 =	sshll.u32 s28, $0x1;
	[dreg:$0x2] =	wrdreg s5  }
0xab: {  	[dreg:$0x3] =	wrdreg s7  }
0xac: {  	[dreg:$0x4] =	wrdreg $0xC0  }
0xad: {  	_ =	task [dreg:s9], $0x5FFFF  }
0xae: {  	[dreg:$0x1] =	wrdreg $0xFFFFFFFF  }
0xaf: {  	[dreg:$0x0] =	wrdreg $0x60  }
0xb0: {  	[dreg:$0x2] =	wrdreg s2  }
0xb1: {  	[dreg:$0x3] =	wrdreg s18  }
0xb2: {  	[dreg:$0x4] =	wrdreg s24  }
0xb3: {  	[dreg:$0x5] =	wrdreg s4  }
0xb4: {  	[dreg:$0x6] =	wrdreg $0x9  }
0xb5: {  	_ =	task.clear_ibuf [dreg:s9], $0x7FFFF;
	_ =	strace $0x90000046  }
0xb6: {  	s29 =	simm.s32 $0x9;
	_ =	strace $0x80000048  }
0xb7: {  	_ =	swait.ge [sflag:s29], $0x1  }
0xb8: {  	[sflag:s29] =	ssyncadd.s32 $0xFFFFFFFF  }
0xb9: {  	_ =	strace $0x90000048  }
0xba: {  	_ =	sfence  }
0xbb: {  	s30 =	sld [smem:$0x0];
	_ =	sdelay $0x2  }
0xbc: {  	s31 =	sshll.u32 s1, $0xD;
	s1 =	sshrl.u32 s1, $0x2  }
0xbd: {  	s3 =	sand.u32 $0x4000, s31;
	s1 =	sadd.s32 s1, s30  }
0xbe: {  	s0 =	sor.u32 s3, s0;
	s1 =	sshll.u32 s1, $0x11  }
0xbf: {  	s0 =	sor.u32 s1, s0  }
0xc0: {  	s0 =	sadd.s32 $0x8F2B, s0  }
0xc1: {  	[sflag:s0] =	ssyncadd.remote.s32 $0x1  }
0xc2: {  	_ =	sfence.sel $0xFFFF  }
0xc3: {  	[dreg:$0x0] =	wrdreg $0xFFFFFFFF;
	(pc) =	sbr.abs _section_cstart, $3  }
0xc4: {  	[dreg:$0x1] =	wrdreg $0xFFFFFFFF  }
0xc5: {  	_ =	task.clear_ibuf [dreg:s9], $0x2FFFF;
	_ =	strace $0x9FFFFFFF  }
0xc6: {  	(tm) =	ssettm $0x7FFFFFFF  }
0xc7: {  	_ =	shalt  }
tec
execute0_lowered:
.L_overlay_start_1:
0x0: {  	(tag) =	ssettag $0x1  }
0x1: {  	s2 =	srdreg.scid  }
0x2: {  	s3 =	stileid.u32;
	s2 =	sand.u32 $0x1, s2  }
0x3: {  	s0 =	rddreg [dreg:$0x0];
	s4 =	sshll.u32 s3, $0xA;
	s6 =	sshll.u32 s2, $0x9  }
0x4: {  	s1 =	rddreg [dreg:$0x1];
	s6 =	sor.u32 s6, s4  }
0x5: {  	s5 =	rddreg [dreg:$0x3];
	s3 =	simm.s32 $0x0;
	s4 =	sadd.s32 s0, s6  }
0x6: {  	[smem:$0x7FF] =	sst s3;
	s9 =	sadd.s32 $0x10, s4  }
0x7: {  	_ =	strace $0x80000047;
	s10 =	sadd.s32 $0x20, s4;
	[dreg:$0x5] =	wrdreg s9  }
0x8: {  	s11 =	sadd.s32 $0x30, s4;
	[dreg:$0x6] =	wrdreg s10  }
0x9: {  	s12 =	sadd.s32 $0x40, s4;
	[dreg:$0x7] =	wrdreg s11  }
0xa: {  	s13 =	sadd.s32 $0x50, s4;
	[dreg:$0x8] =	wrdreg s12  }
0xb: {  	s14 =	sadd.s32 $0x60, s4;
	[dreg:$0x9] =	wrdreg s13  }
0xc: {  	s2 =	ssub.s32 $0x2, s2;
	s15 =	sadd.s32 $0x70, s4;
	[dreg:$0xa] =	wrdreg s14  }
0xd: {  	s7 =	sshrl.u32 s2, $0x1;
	s16 =	sadd.s32 $0x4000, s4;
	[dreg:$0xb] =	wrdreg s15  }
0xe: {  	s8 =	ssub.s32 s2, s7;
	s17 =	sadd.s32 $0x4010, s4;
	[dreg:$0xc] =	wrdreg s16  }
0xf: {  	s26 =	sshrl.u32 s6, $0x3;
	s18 =	sadd.s32 $0x4020, s4;
	[dreg:$0xd] =	wrdreg s17  }
0x10: {  	s2 =	simm.s32 $0x80;
	s19 =	sadd.s32 $0x4030, s4;
	[dreg:$0xe] =	wrdreg s18  }
0x11: {  	s7 =	simm.s32 $0x1A00;
	s20 =	sadd.s32 $0x4040, s4;
	[dreg:$0xf] =	wrdreg s19  }
0x12: {  	s21 =	sadd.s32 $0x4050, s4;
	s22 =	sadd.s32 $0x4060, s4;
	[dreg:$0x10] =	wrdreg s20  }
0x13: {  	s23 =	sadd.s32 $0x4070, s4;
	s24 =	sadd.s32 $0x8000, s4;
	[dreg:$0x11] =	wrdreg s21  }
0x14: {  	s25 =	sadd.s32 $0x8010, s4;
	s28 =	sadd.s32 $0x8040, s4;
	[dreg:$0x12] =	wrdreg s22  }
0x15: {  	s29 =	sadd.s32 $0x8050, s4;
	s30 =	sadd.s32 $0x8060, s4;
	[dreg:$0x13] =	wrdreg s23  }
0x16: {  	s31 =	sadd.s32 $0x8070, s4;
	s0 =	sadd.s32 $0xC000, s4;
	[dreg:$0x14] =	wrdreg s24  }
0x17: {  	[dreg:$0x15] =	wrdreg s25;
	s22 =	sadd.s32 s1, s6;
	s23 =	sadd.s32 s5, s26  }
0x18: {  	s24 =	sadd.s32 $0x8020, s4;
	s25 =	smax.u32 s8, $0x1;
	s26 =	sadd.s32 $0x8030, s4  }
0x19: {  	s1 =	sadd.s32 $0xC010, s4;
	s5 =	simm.s32 $0x400;
	s6 =	simm.s32 $0x1000  }
0x1a: {  	s8 =	simm.s32 $0x1;
	s9 =	simm.s32 $0x4;
	s10 =	simm.s32 $0x2  }
0x1b: {  	s11 =	simm.s32 $0x3;
	s12 =	simm.s32 $0xA800;
	s13 =	simm.s32 $0x0  }
.LBB2_1:
0x1c: {  	[tilespmem:s3], [sflag:$0x1] =	stream.strided.gather [hbm4b:s4+s2], $0x200, s5, s2, $0x38;
	[tilespmem:$0xAA00] =	vst v63  }
0x1d: {  	s14 =	rddreg [dreg:$0x5];
	s15 =	simm.s32 $0x200  }
0x1e: {  	[tilespmem:s15], [sflag:$0x1] =	stream.strided.gather [hbm4b:s14+s2], $0x200, s5, s2, $0x38;
	[tilespmem:$0xAA00] =	vst v63  }
0x1f: {  	s15 =	rddreg [dreg:$0x6]  }
0x20: {  	[tilespmem:s5], [sflag:$0x1] =	stream.strided.gather [hbm4b:s15+s2], $0x200, s5, s2, $0x38;
	[tilespmem:$0xAA00] =	vst v63  }
0x21: {  	s16 =	rddreg [dreg:$0x7];
	s17 =	simm.s32 $0x600  }
0x22: {  	[tilespmem:s17], [sflag:$0x1] =	stream.strided.gather [hbm4b:s16+s2], $0x200, s5, s2, $0x38;
	[tilespmem:$0xAA00] =	vst v63  }
0x23: {  	s18 =	rddreg [dreg:$0x8];
	s19 =	simm.s32 $0x800  }
0x24: {  	[tilespmem:s19], [sflag:$0x1] =	stream.strided.gather [hbm4b:s18+s2], $0x200, s5, s2, $0x38;
	[tilespmem:$0xAA00] =	vst v63  }
0x25: {  	s20 =	rddreg [dreg:$0x9];
	s21 =	simm.s32 $0xA00  }
0x26: {  	[tilespmem:s21], [sflag:$0x1] =	stream.strided.gather [hbm4b:s20+s2], $0x200, s5, s2, $0x38;
	[tilespmem:$0xAA00] =	vst v63  }
0x27: {  	s15 =	rddreg [dreg:$0xa];
	s16 =	simm.s32 $0xC00  }
0x28: {  	[tilespmem:s16], [sflag:$0x1] =	stream.strided.gather [hbm4b:s15+s2], $0x200, s5, s2, $0x38;
	[tilespmem:$0xAA00] =	vst v63  }
0x29: {  	s17 =	rddreg [dreg:$0xb];
	s18 =	simm.s32 $0xE00  }
0x2a: {  	[tilespmem:s18], [sflag:$0x1] =	stream.strided.gather [hbm4b:s17+s2], $0x200, s5, s2, $0x38;
	[tilespmem:$0xAA00] =	vst v63  }
0x2b: {  	s19 =	rddreg [dreg:$0xc]  }
0x2c: {  	[tilespmem:s6], [sflag:$0x1] =	stream.strided.gather [hbm4b:s19+s2], $0x200, s5, s2, $0x38;
	[tilespmem:$0xAA00] =	vst v63  }
0x2d: {  	s20 =	rddreg [dreg:$0xd];
	s21 =	simm.s32 $0x1200  }
0x2e: {  	[tilespmem:s21], [sflag:$0x1] =	stream.strided.gather [hbm4b:s20+s2], $0x200, s5, s2, $0x38;
	[tilespmem:$0xAA00] =	vst v63  }
0x2f: {  	s16 =	rddreg [dreg:$0xe];
	s17 =	simm.s32 $0x1400  }
0x30: {  	[tilespmem:s17], [sflag:$0x1] =	stream.strided.gather [hbm4b:s16+s2], $0x200, s5, s2, $0x38;
	[tilespmem:$0xAA00] =	vst v63  }
0x31: {  	s18 =	rddreg [dreg:$0xf];
	s19 =	simm.s32 $0x1600  }
0x32: {  	[tilespmem:s19], [sflag:$0x1] =	stream.strided.gather [hbm4b:s18+s2], $0x200, s5, s2, $0x38;
	[tilespmem:$0xAA00] =	vst v63  }
0x33: {  	s20 =	rddreg [dreg:$0x10];
	s21 =	simm.s32 $0x1800  }
0x34: {  	[tilespmem:s21], [sflag:$0x1] =	stream.strided.gather [hbm4b:s20+s2], $0x200, s5, s2, $0x38;
	[tilespmem:$0xAA00] =	vst v63  }
0x35: {  	s15 =	rddreg [dreg:$0x11]  }
0x36: {  	[tilespmem:s7], [sflag:$0x1] =	stream.strided.gather [hbm4b:s15+s2], $0x200, s5, s2, $0x38;
	[tilespmem:$0xAA00] =	vst v63  }
0x37: {  	s16 =	rddreg [dreg:$0x12];
	s17 =	simm.s32 $0x1C00  }
0x38: {  	[tilespmem:s17], [sflag:$0x1] =	stream.strided.gather [hbm4b:s16+s2], $0x200, s5, s2, $0x38;
	[tilespmem:$0xAA00] =	vst v63  }
0x39: {  	s18 =	rddreg [dreg:$0x13];
	s19 =	simm.s32 $0x1E00  }
0x3a: {  	[tilespmem:s19], [sflag:$0x1] =	stream.strided.gather [hbm4b:s18+s2], $0x200, s5, s2, $0x38;
	[tilespmem:$0xAA00] =	vst v63  }
0x3b: {  	s20 =	rddreg [dreg:$0x14];
	s21 =	simm.s32 $0x2000  }
0x3c: {  	[tilespmem:s21], [sflag:$0x1] =	stream.strided.gather [hbm4b:s20+s2], $0x200, s5, s2, $0x38;
	[tilespmem:$0xAA00] =	vst v63  }
0x3d: {  	s16 =	rddreg [dreg:$0x15];
	s17 =	simm.s32 $0x2200  }
0x3e: {  	[tilespmem:s17], [sflag:$0x1] =	stream.strided.gather [hbm4b:s16+s2], $0x200, s5, s2, $0x38;
	[tilespmem:$0xAA00] =	vst v63  }
0x3f: {  	s18 =	simm.s32 $0x2400  }
0x40: {  	[tilespmem:s18], [sflag:$0x1] =	stream.strided.gather [hbm4b:s24+s2], $0x200, s5, s2, $0x38;
	[tilespmem:$0xAA00] =	vst v63  }
0x41: {  	s19 =	simm.s32 $0x2600  }
0x42: {  	[tilespmem:s19], [sflag:$0x1] =	stream.strided.gather [hbm4b:s26+s2], $0x200, s5, s2, $0x38;
	[tilespmem:$0xAA00] =	vst v63  }
0x43: {  	s20 =	simm.s32 $0x2800  }
0x44: {  	[tilespmem:s20], [sflag:$0x1] =	stream.strided.gather [hbm4b:s28+s2], $0x200, s5, s2, $0x38;
	[tilespmem:$0xAA00] =	vst v63  }
0x45: {  	s21 =	simm.s32 $0x2A00  }
0x46: {  	[tilespmem:s21], [sflag:$0x1] =	stream.strided.gather [hbm4b:s29+s2], $0x200, s5, s2, $0x38;
	[tilespmem:$0xAA00] =	vst v63  }
0x47: {  	s15 =	simm.s32 $0x2C00  }
0x48: {  	[tilespmem:s15], [sflag:$0x1] =	stream.strided.gather [hbm4b:s30+s2], $0x200, s5, s2, $0x38;
	[tilespmem:$0xAA00] =	vst v63  }
0x49: {  	s16 =	simm.s32 $0x2E00  }
0x4a: {  	[tilespmem:s16], [sflag:$0x1] =	stream.strided.gather [hbm4b:s31+s2], $0x200, s5, s2, $0x38;
	[tilespmem:$0xAA00] =	vst v63  }
0x4b: {  	s17 =	simm.s32 $0x3000  }
0x4c: {  	[tilespmem:s17], [sflag:$0x1] =	stream.strided.gather [hbm4b:s0+s2], $0x200, s5, s2, $0x38;
	[tilespmem:$0xAA00] =	vst v63  }
0x4d: {  	s18 =	simm.s32 $0x3200  }
0x4e: {  	[tilespmem:s18], [sflag:$0x1] =	stream.strided.gather [hbm4b:s1+s2], $0x200, s5, s2, $0x38;
	[tilespmem:$0xAA00] =	vst v63  }
0x4f: {  	_ =	swait.ge [sflag:s8], $0x200  }
0x50: {  	[sflag:s8] =	ssyncset.done $0x0  }
0x51: {  	[sflag:s8] =	ssyncadd.s32 $0xFFFFFE00  }
0x52: {  	_ =	swait.ge [sflag:s8], $0x200  }
0x53: {  	[sflag:s8] =	ssyncset.done $0x0  }
0x54: {  	[sflag:s8] =	ssyncadd.s32 $0xFFFFFE00  }
0x55: {  	_ =	swait.ge [sflag:s8], $0x200  }
0x56: {  	[sflag:s8] =	ssyncset.done $0x0  }
0x57: {  	[sflag:s8] =	ssyncadd.s32 $0xFFFFFE00  }
0x58: {  	_ =	swait.ge [sflag:s8], $0x200  }
0x59: {  	[sflag:s8] =	ssyncset.done $0x0  }
0x5a: {  	[sflag:s8] =	ssyncadd.s32 $0xFFFFFE00  }
0x5b: {  	_ =	swait.ge [sflag:s8], $0x200  }
0x5c: {  	[sflag:s8] =	ssyncset.done $0x0  }
0x5d: {  	[sflag:s8] =	ssyncadd.s32 $0xFFFFFE00  }
0x5e: {  	_ =	swait.ge [sflag:s8], $0x200  }
0x5f: {  	[sflag:s8] =	ssyncset.done $0x0  }
0x60: {  	[sflag:s8] =	ssyncadd.s32 $0xFFFFFE00  }
0x61: {  	_ =	swait.ge [sflag:s8], $0x200  }
0x62: {  	[sflag:s8] =	ssyncset.done $0x0  }
0x63: {  	[sflag:s8] =	ssyncadd.s32 $0xFFFFFE00  }
0x64: {  	_ =	swait.ge [sflag:s8], $0x200  }
0x65: {  	[sflag:s8] =	ssyncset.done $0x0  }
0x66: {  	[sflag:s8] =	ssyncadd.s32 $0xFFFFFE00  }
0x67: {  	_ =	swait.ge [sflag:s8], $0x200  }
0x68: {  	[sflag:s8] =	ssyncset.done $0x0  }
0x69: {  	[sflag:s8] =	ssyncadd.s32 $0xFFFFFE00  }
0x6a: {  	_ =	swait.ge [sflag:s8], $0x200  }
0x6b: {  	[sflag:s8] =	ssyncset.done $0x0  }
0x6c: {  	[sflag:s8] =	ssyncadd.s32 $0xFFFFFE00  }
0x6d: {  	_ =	swait.ge [sflag:s8], $0x200  }
0x6e: {  	[sflag:s8] =	ssyncset.done $0x0  }
0x6f: {  	[sflag:s8] =	ssyncadd.s32 $0xFFFFFE00  }
0x70: {  	_ =	swait.ge [sflag:s8], $0x200  }
0x71: {  	[sflag:s8] =	ssyncset.done $0x0  }
0x72: {  	[sflag:s8] =	ssyncadd.s32 $0xFFFFFE00  }
0x73: {  	_ =	swait.ge [sflag:s8], $0x200  }
0x74: {  	[sflag:s8] =	ssyncset.done $0x0  }
0x75: {  	[sflag:s8] =	ssyncadd.s32 $0xFFFFFE00  }
0x76: {  	s14 =	simm.s32 $0x7400;
	s19 =	rddreg [dreg:$0x2]  }
0x77: {  	[tilespmem:s14], [sflag:$0x2] =	stream.indirect.gather [hbm4b:s19+s7], $0x1, s3, s7, $0xb8;
	[tilespmem:$0xAA00] =	vst v63  }
0x78: {  	_ =	swait.ge [sflag:s8], $0x200  }
0x79: {  	[sflag:s8] =	ssyncset.done $0x0  }
0x7a: {  	[sflag:s8] =	ssyncadd.s32 $0xFFFFFE00  }
0x7b: {  	_ =	swait.ge [sflag:s8], $0x200  }
0x7c: {  	[sflag:s8] =	ssyncset.done $0x0  }
0x7d: {  	[sflag:s8] =	ssyncadd.s32 $0xFFFFFE00  }
0x7e: {  	_ =	swait.ge [sflag:s8], $0x200  }
0x7f: {  	[sflag:s8] =	ssyncset.done $0x0  }
0x80: {  	[sflag:s8] =	ssyncadd.s32 $0xFFFFFE00  }
0x81: {  	_ =	swait.ge [sflag:s8], $0x200  }
0x82: {  	[sflag:s8] =	ssyncset.done $0x0  }
0x83: {  	[sflag:s8] =	ssyncadd.s32 $0xFFFFFE00  }
0x84: {  	_ =	swait.ge [sflag:s8], $0x200  }
0x85: {  	[sflag:s8] =	ssyncset.done $0x0  }
0x86: {  	[sflag:s8] =	ssyncadd.s32 $0xFFFFFE00  }
0x87: {  	_ =	swait.ge [sflag:s8], $0x200  }
0x88: {  	[sflag:s8] =	ssyncset.done $0x0  }
0x89: {  	[sflag:s8] =	ssyncadd.s32 $0xFFFFFE00  }
0x8a: {  	_ =	swait.ge [sflag:s8], $0x200  }
0x8b: {  	[sflag:s8] =	ssyncset.done $0x0  }
0x8c: {  	[sflag:s8] =	ssyncadd.s32 $0xFFFFFE00  }
0x8d: {  	_ =	swait.ge [sflag:s8], $0x200  }
0x8e: {  	[sflag:s8] =	ssyncset.done $0x0  }
0x8f: {  	[sflag:s8] =	ssyncadd.s32 $0xFFFFFE00  }
0x90: {  	_ =	swait.ge [sflag:s8], $0x200  }
0x91: {  	[sflag:s8] =	ssyncset.done $0x0  }
0x92: {  	[sflag:s8] =	ssyncadd.s32 $0xFFFFFE00  }
0x93: {  	_ =	swait.ge [sflag:s8], $0x200  }
0x94: {  	[sflag:s8] =	ssyncset.done $0x0  }
0x95: {  	[sflag:s8] =	ssyncadd.s32 $0xFFFFFE00  }
0x96: {  	_ =	swait.ge [sflag:s8], $0x200  }
0x97: {  	[sflag:s8] =	ssyncset.done $0x0  }
0x98: {  	[sflag:s8] =	ssyncadd.s32 $0xFFFFFE00  }
0x99: {  	_ =	swait.ge [sflag:s8], $0x200  }
0x9a: {  	[sflag:s8] =	ssyncset.done $0x0  }
0x9b: {  	[sflag:s8] =	ssyncadd.s32 $0xFFFFFE00  }
0x9c: {  	_ =	swait.ge [sflag:s8], $0x200  }
0x9d: {  	[sflag:s8] =	ssyncset.done $0x0  }
0x9e: {  	s16 =	simm.s32 $0x8E00;
	[sflag:s8] =	ssyncadd.s32 $0xFFFFFE00  }
0x9f: {  	[tilespmem:s16], [sflag:$0x3] =	stream.indirect.gather [hbm4b:s19+s7], $0x1, s7, s7, $0xb8;
	[tilespmem:$0xAA00] =	vst v63  }
0xa0: {  	s20 =	simm.s32 $0x20000;
	s21 =	simm.s32 $0x3400  }
0xa1: {  	[tilespmem:s21], [sflag:$0x4] =	stream.strided.gather [hbm4b:s22+s6], $0x4000, s20, s6, $0x38;
	[tilespmem:$0xAA00] =	vst v63  }
0xa2: {  	_ =	swait.ge [sflag:s9], $0x4000  }
0xa3: {  	[sflag:s9] =	ssyncset.done $0x0  }
0xa4: {  	[sflag:s9] =	ssyncadd.s32 $0xFFFFC000  }
0xa5: {  	_ =	swait.ge [sflag:s10], $0x1A00  }
0xa6: {  	s17 =	sand.u32 $0x70, s3;
	s18 =	sand.u32 $0xC00, s3;
	[sflag:s10] =	ssyncset.done $0x0  }
0xa7: {  	s15 =	sor.u32 s17, s18;
	[sflag:s10] =	ssyncadd.s32 $0xFFFFE600  }
0xa8: {  	v0 =	vld [tilespmem:s15+$0x3400]  }
0xa9: {  	s19 =	sand.u32 $0x1F0, s3;
	v1 =	vld [tilespmem:s14+$0x0]  }
0xaa: {  	v2 =	vld [tilespmem:s19+$0x7600]  }
0xab: {  	v3 =	vld [tilespmem:s15+$0x3480]  }
0xac: {  	v4 =	vld [tilespmem:s19+$0x7800]  }
0xad: {  	v5 =	vld [tilespmem:s15+$0x3500]  }
0xae: {  	v36 =	vld [tilespmem:s19+$0x7A00];
	v0 =	vmul.f32 v0, v1  }
0xaf: {  	v6 =	vld [tilespmem:s15+$0x3580]  }
0xb0: {  	v37 =	vld [tilespmem:s19+$0x7C00];
	v2 =	vmul.f32 v3, v2;
	v0 =	vadd.f32 $0.0e+00, v0  }
0xb1: {  	v7 =	vld [tilespmem:s15+$0x3600]  }
0xb2: {  	v39 =	vld [tilespmem:s19+$0x7E00];
	v38 =	vmul.f32 v5, v4;
	v0 =	vadd.f32 v2, v0  }
0xb3: {  	v40 =	vld [tilespmem:s15+$0x3680]  }
0xb4: {  	v41 =	vld [tilespmem:s19+$0x8000];
	v1 =	vmul.f32 v6, v36;
	v0 =	vadd.f32 v38, v0  }
0xb5: {  	s17 =	sor.u32 s3, s3;
	v42 =	vld [tilespmem:s15+$0x3700]  }
0xb6: {  	s17 =	sor.u32 $0x380, s17;
	v44 =	vld [tilespmem:s19+$0x8200];
	v43 =	vmul.f32 v7, v37;
	v0 =	vadd.f32 v1, v0  }
0xb7: {  	v45 =	vld [tilespmem:s17+$0x3400]  }
0xb8: {  	v47 =	vld [tilespmem:s19+$0x8400];
	v46 =	vmul.f32 v40, v39;
	v0 =	vadd.f32 v43, v0  }
0xb9: {  	v48 =	vld [tilespmem:s15+$0x4400]  }
0xba: {  	v50 =	vld [tilespmem:s19+$0x8600];
	v49 =	vmul.f32 v42, v41;
	v0 =	vadd.f32 v46, v0  }
0xbb: {  	v51 =	vld [tilespmem:s15+$0x4480]  }
0xbc: {  	v53 =	vld [tilespmem:s19+$0x8800];
	v52 =	vmul.f32 v45, v44;
	v0 =	vadd.f32 v49, v0  }
0xbd: {  	v54 =	vld [tilespmem:s15+$0x4500]  }
0xbe: {  	v56 =	vld [tilespmem:s19+$0x8A00];
	v55 =	vmul.f32 v48, v47;
	v0 =	vadd.f32 v52, v0  }
0xbf: {  	v57 =	vld [tilespmem:s15+$0x4580]  }
0xc0: {  	v59 =	vld [tilespmem:s19+$0x8C00];
	v58 =	vmul.f32 v51, v50;
	v0 =	vadd.f32 v55, v0  }
0xc1: {  	v60 =	vld [tilespmem:s15+$0x4600]  }
0xc2: {  	v61 =	vmul.f32 v54, v53;
	v0 =	vadd.f32 v58, v0;
	_ =	sdelay $0x1  }
0xc3: {  	v62 =	vmul.f32 v57, v56;
	v0 =	vadd.f32 v61, v0;
	_ =	sdelay $0x1  }
0xc4: {  	v63 =	vmul.f32 v60, v59;
	v0 =	vadd.f32 v62, v0;
	_ =	sdelay $0x1  }
0xc5: {  	s18 =	simm.s32 $0x80;
	s16 =	simm.s32 $0x10;
	v0 =	vadd.f32 v63, v0  }
0xc6: {  	s20 =	sand.u32 $0x70, s16;
	s21 =	sand.u32 $0xC00, s18  }
0xc7: {  	s17 =	sor.u32 s20, s21;
	s19 =	simm.s32 $0x20;
	s15 =	simm.s32 $0xA800;
	[tilespmem:s12+$0x0] =	vst v0  }
.LBB2_2:
0xc8: {  	p0 =	sne.s32 s19, $0x1F0;
	v0 =	vld [tilespmem:s17+$0x3400];
	s14 =	sadd.s32 $0x10, s14  }
0xc9: {  	s20 =	sand.u32 $0x1F0, s16;
	v1 =	vld [tilespmem:s14+$0x0]  }
0xca: {  	v2 =	vld [tilespmem:s20+$0x7600]  }
0xcb: {  	v3 =	vld [tilespmem:s17+$0x3480]  }
0xcc: {  	v4 =	vld [tilespmem:s20+$0x7800]  }
0xcd: {  	v5 =	vld [tilespmem:s17+$0x3500]  }
0xce: {  	v0 =	vmul.f32 v0, v1;
	v1 =	vld [tilespmem:s20+$0x7A00]  }
0xcf: {  	v6 =	vld [tilespmem:s17+$0x3580]  }
0xd0: {  	v0 =	vadd.f32 $0.0e+00, v0;
	v2 =	vmul.f32 v3, v2;
	v3 =	vld [tilespmem:s20+$0x7C00]  }
0xd1: {  	v7 =	vld [tilespmem:s17+$0x3600]  }
0xd2: {  	v0 =	vadd.f32 v2, v0;
	v2 =	vmul.f32 v5, v4;
	v4 =	vld [tilespmem:s20+$0x7E00]  }
0xd3: {  	v5 =	vld [tilespmem:s17+$0x3680]  }
0xd4: {  	v0 =	vadd.f32 v2, v0;
	v1 =	vmul.f32 v6, v1;
	v2 =	vld [tilespmem:s20+$0x8000]  }
0xd5: {  	s21 =	sor.u32 s18, s16;
	s16 =	smov.u32 s19;
	v6 =	vld [tilespmem:s17+$0x3700]  }
0xd6: {  	s21 =	sor.u32 $0x380, s21;
	v0 =	vadd.f32 v1, v0;
	v1 =	vmul.f32 v7, v3;
	v3 =	vld [tilespmem:s20+$0x8200]  }
0xd7: {  	v7 =	vld [tilespmem:s21+$0x3400]  }
0xd8: {  	v0 =	vadd.f32 v1, v0;
	v1 =	vmul.f32 v5, v4;
	v4 =	vld [tilespmem:s20+$0x8400]  }
0xd9: {  	v5 =	vld [tilespmem:s17+$0x4400]  }
0xda: {  	v0 =	vadd.f32 v1, v0;
	v1 =	vmul.f32 v6, v2;
	v2 =	vld [tilespmem:s20+$0x8600]  }
0xdb: {  	v6 =	vld [tilespmem:s17+$0x4480]  }
0xdc: {  	v0 =	vadd.f32 v1, v0;
	v1 =	vmul.f32 v7, v3;
	v3 =	vld [tilespmem:s20+$0x8800]  }
0xdd: {  	v7 =	vld [tilespmem:s17+$0x4500]  }
0xde: {  	v0 =	vadd.f32 v1, v0;
	v1 =	vmul.f32 v5, v4;
	v4 =	vld [tilespmem:s20+$0x8A00]  }
0xdf: {  	v5 =	vld [tilespmem:s17+$0x4580]  }
0xe0: {  	v0 =	vadd.f32 v1, v0;
	v1 =	vmul.f32 v6, v2;
	v2 =	vld [tilespmem:s20+$0x8C00]  }
0xe1: {  	v6 =	vld [tilespmem:s17+$0x4600]  }
0xe2: {  	v0 =	vadd.f32 v1, v0;
	v1 =	vmul.f32 v7, v3;
	_ =	sdelay $0x1  }
0xe3: {  	v0 =	vadd.f32 v1, v0;
	v1 =	vmul.f32 v5, v4;
	_ =	sdelay $0x1  }
.Ltmp0:
0xe4: {  	v0 =	vadd.f32 v1, v0;
	v1 =	vmul.f32 v6, v2;
	(pc) =	sbr.rel @p0 .LBB2_2-.Ltmp0, $4  }
0xe5: {  	_ = 	snop  }
0xe6: {  	s18 =	sadd.s32 $0x80, s18;
	v0 =	vadd.f32 v1, v0  }
0xe7: {  	s15 =	sadd.s32 $0x10, s15;
	s20 =	sand.u32 $0xC00, s18;
	s17 =	sand.u32 $0x70, s19  }
0xe8: {  	s19 =	sadd.s32 $0x10, s19;
	s17 =	sor.u32 s17, s20;
	[tilespmem:s15+$0x0] =	vst v0  }
0xe9: {  	v0 =	vld [tilespmem:s17+$0x3400];
	s14 =	sadd.s32 $0x10, s14  }
0xea: {  	v1 =	vld [tilespmem:s14+$0x0]  }
0xeb: {  	s19 =	sand.u32 $0x1F0, s16;
	v3 =	vld [tilespmem:s17+$0x3480]  }
0xec: {  	v2 =	vld [tilespmem:s19+$0x7600]  }
0xed: {  	v5 =	vld [tilespmem:s17+$0x3500]  }
0xee: {  	v4 =	vld [tilespmem:s19+$0x7800]  }
0xef: {  	v6 =	vld [tilespmem:s17+$0x3580];
	v0 =	vmul.f32 v0, v1  }
0xf0: {  	v1 =	vld [tilespmem:s19+$0x7A00]  }
0xf1: {  	v7 =	vld [tilespmem:s17+$0x3600];
	v2 =	vmul.f32 v3, v2;
	v0 =	vadd.f32 $0.0e+00, v0  }
0xf2: {  	v3 =	vld [tilespmem:s19+$0x7C00]  }
0xf3: {  	v54 =	vld [tilespmem:s17+$0x3680];
	v0 =	vadd.f32 v2, v0;
	v2 =	vmul.f32 v5, v4  }
0xf4: {  	v53 =	vld [tilespmem:s19+$0x7E00]  }
0xf5: {  	v55 =	vld [tilespmem:s17+$0x3700];
	s20 =	sor.u32 s18, s16;
	v1 =	vmul.f32 v6, v1;
	v0 =	vadd.f32 v2, v0  }
0xf6: {  	s16 =	sor.u32 $0x380, s20;
	v2 =	vld [tilespmem:s19+$0x8000]  }
0xf7: {  	v56 =	vld [tilespmem:s16+$0x3400];
	v0 =	vadd.f32 v1, v0;
	v1 =	vmul.f32 v7, v3  }
0xf8: {  	v3 =	vld [tilespmem:s19+$0x8200]  }
0xf9: {  	v58 =	vld [tilespmem:s17+$0x4400];
	v0 =	vadd.f32 v1, v0;
	v1 =	vmul.f32 v54, v53  }
0xfa: {  	v57 =	vld [tilespmem:s19+$0x8400]  }
0xfb: {  	v59 =	vld [tilespmem:s17+$0x4480];
	v0 =	vadd.f32 v1, v0;
	v1 =	vmul.f32 v55, v2  }
0xfc: {  	v2 =	vld [tilespmem:s19+$0x8600]  }
0xfd: {  	v60 =	vld [tilespmem:s17+$0x4500];
	v0 =	vadd.f32 v1, v0;
	v1 =	vmul.f32 v56, v3  }
0xfe: {  	v3 =	vld [tilespmem:s19+$0x8800]  }
0xff: {  	v62 =	vld [tilespmem:s17+$0x4580];
	v0 =	vadd.f32 v1, v0;
	v1 =	vmul.f32 v58, v57  }
0x100: {  	v61 =	vld [tilespmem:s19+$0x8A00]  }
0x101: {  	v63 =	vld [tilespmem:s17+$0x4600];
	v0 =	vadd.f32 v1, v0;
	v1 =	vmul.f32 v59, v2  }
0x102: {  	v2 =	vld [tilespmem:s19+$0x8C00]  }
0x103: {  	v0 =	vadd.f32 v1, v0;
	v1 =	vmul.f32 v60, v3;
	_ =	sdelay $0x1  }
0x104: {  	v0 =	vadd.f32 v1, v0;
	v1 =	vmul.f32 v62, v61;
	_ =	sdelay $0x1  }
0x105: {  	v0 =	vadd.f32 v1, v0;
	v1 =	vmul.f32 v63, v2;
	_ =	sdelay $0x1  }
0x106: {  	v0 =	vadd.f32 v1, v0  }
0x107: {  	s21 =	sadd.s32 $0x10, s15  }
0x108: {  	[tilespmem:s21+$0x0] =	vst v0  }
0x109: {  	_ =	swait.ge [sflag:s11], $0x1A00  }
0x10a: {  	s15 =	simm.s32 $0x0;
	s17 =	simm.s32 $0x10;
	[sflag:s11] =	ssyncset.done $0x0  }
0x10b: {  	s18 =	simm.s32 $0x0;
	s14 =	simm.s32 $0xA800;
	[sflag:s11] =	ssyncadd.s32 $0xFFFFE600  }
0x10c: {  	s20 =	sand.u32 $0xC00, s15;
	s16 =	simm.s32 $0x8E00;
	s19 =	sand.u32 $0x70, s15;
	v0 =	vld [tilespmem:s14+$0x0]  }
.LBB2_4:
0x10d: {  	p0 =	sne.s32 s17, $0x1F0;
	v1 =	vld [tilespmem:s16+$0x0];
	s19 =	sor.u32 s19, s20  }
0x10e: {  	s20 =	sand.u32 $0x1F0, s15;
	s15 =	smov.u32 s17;
	v2 =	vld [tilespmem:s19+$0x4680]  }
0x10f: {  	v3 =	vld [tilespmem:s20+$0x9000]  }
0x110: {  	v4 =	vld [tilespmem:s19+$0x4700]  }
0x111: {  	v5 =	vld [tilespmem:s20+$0x9200]  }
0x112: {  	v6 =	vld [tilespmem:s19+$0x4780]  }
0x113: {  	v1 =	vmul.f32 v2, v1;
	v2 =	vld [tilespmem:s20+$0x9400]  }
0x114: {  	v7 =	vld [tilespmem:s19+$0x5400]  }
0x115: {  	v0 =	vadd.f32 v1, v0;
	v1 =	vmul.f32 v4, v3;
	v3 =	vld [tilespmem:s20+$0x9600]  }
0x116: {  	v4 =	vld [tilespmem:s19+$0x5480]  }
0x117: {  	v0 =	vadd.f32 v1, v0;
	v1 =	vmul.f32 v6, v5;
	v5 =	vld [tilespmem:s20+$0x9800]  }
0x118: {  	v6 =	vld [tilespmem:s19+$0x5500]  }
0x119: {  	v0 =	vadd.f32 v1, v0;
	v1 =	vmul.f32 v7, v2;
	v2 =	vld [tilespmem:s20+$0x9A00]  }
0x11a: {  	v7 =	vld [tilespmem:s19+$0x5580]  }
0x11b: {  	v0 =	vadd.f32 v1, v0;
	v1 =	vmul.f32 v4, v3;
	v3 =	vld [tilespmem:s20+$0x9C00]  }
0x11c: {  	v4 =	vld [tilespmem:s19+$0x5600]  }
0x11d: {  	v0 =	vadd.f32 v1, v0;
	v1 =	vmul.f32 v6, v5;
	v5 =	vld [tilespmem:s20+$0x9E00]  }
0x11e: {  	v6 =	vld [tilespmem:s19+$0x5680]  }
0x11f: {  	v0 =	vadd.f32 v1, v0;
	v1 =	vmul.f32 v7, v2;
	v2 =	vld [tilespmem:s20+$0xA000]  }
0x120: {  	v7 =	vld [tilespmem:s19+$0x5700]  }
0x121: {  	v0 =	vadd.f32 v1, v0;
	v1 =	vmul.f32 v4, v3;
	v3 =	vld [tilespmem:s20+$0xA200]  }
0x122: {  	v4 =	vld [tilespmem:s19+$0x5780]  }
0x123: {  	v0 =	vadd.f32 v1, v0;
	v1 =	vmul.f32 v6, v5;
	v5 =	vld [tilespmem:s20+$0xA400]  }
0x124: {  	v6 =	vld [tilespmem:s19+$0x6400]  }
0x125: {  	v0 =	vadd.f32 v1, v0;
	v1 =	vmul.f32 v7, v2;
	v2 =	vld [tilespmem:s20+$0xA600]  }
0x126: {  	v7 =	vld [tilespmem:s19+$0x6480]  }
0x127: {  	v0 =	vadd.f32 v1, v0;
	v1 =	vmul.f32 v4, v3;
	_ =	sdelay $0x1  }
0x128: {  	v0 =	vadd.f32 v1, v0;
	v1 =	vmul.f32 v6, v5;
	_ =	sdelay $0x1  }
0x129: {  	v0 =	vadd.f32 v1, v0;
	v1 =	vmul.f32 v7, v2  }
.Ltmp1:
0x12a: {  	(pc) =	sbr.rel @p0 .LBB2_4-.Ltmp1, $3  }
0x12b: {  	v0 =	vadd.f32 v1, v0;
	_ =	sdelay $0x1  }
0x12c: {  	s18 =	sadd.s32 $0x80, s18;
	s16 =	sadd.s32 $0x10, s16;
	[tilespmem:s14+$0x0] =	vst v0;
	s14 =	sadd.s32 $0x10, s14  }
0x12d: {  	s17 =	sadd.s32 $0x10, s17;
	s20 =	sand.u32 $0xC00, s18;
	s19 =	sand.u32 $0x70, s15;
	v0 =	vld [tilespmem:s14+$0x0]  }
0x12e: {  	v1 =	vld [tilespmem:s16+$0x0];
	s21 =	sor.u32 s19, s20  }
0x12f: {  	s15 =	sand.u32 $0x1F0, s15;
	v2 =	vld [tilespmem:s21+$0x4680]  }
0x130: {  	v3 =	vld [tilespmem:s15+$0x9000]  }
0x131: {  	v4 =	vld [tilespmem:s21+$0x4700]  }
0x132: {  	v5 =	vld [tilespmem:s15+$0x9200]  }
0x133: {  	v6 =	vld [tilespmem:s21+$0x4780]  }
0x134: {  	v33 =	vld [tilespmem:s15+$0x9400];
	v1 =	vmul.f32 v2, v1  }
0x135: {  	v7 =	vld [tilespmem:s21+$0x5400]  }
0x136: {  	v35 =	vld [tilespmem:s15+$0x9600];
	v34 =	vmul.f32 v4, v3;
	v0 =	vadd.f32 v1, v0  }
0x137: {  	v36 =	vld [tilespmem:s21+$0x5480]  }
0x138: {  	v38 =	vld [tilespmem:s15+$0x9800];
	v37 =	vmul.f32 v6, v5;
	v0 =	vadd.f32 v34, v0  }
0x139: {  	v39 =	vld [tilespmem:s21+$0x5500]  }
0x13a: {  	v41 =	vld [tilespmem:s15+$0x9A00];
	v40 =	vmul.f32 v7, v33;
	v0 =	vadd.f32 v37, v0  }
0x13b: {  	v42 =	vld [tilespmem:s21+$0x5580]  }
0x13c: {  	v44 =	vld [tilespmem:s15+$0x9C00];
	v43 =	vmul.f32 v36, v35;
	v0 =	vadd.f32 v40, v0  }
0x13d: {  	v45 =	vld [tilespmem:s21+$0x5600]  }
0x13e: {  	v47 =	vld [tilespmem:s15+$0x9E00];
	v46 =	vmul.f32 v39, v38;
	v0 =	vadd.f32 v43, v0  }
0x13f: {  	v48 =	vld [tilespmem:s21+$0x5680]  }
0x140: {  	v50 =	vld [tilespmem:s15+$0xA000];
	v49 =	vmul.f32 v42, v41;
	v0 =	vadd.f32 v46, v0  }
0x141: {  	v51 =	vld [tilespmem:s21+$0x5700]  }
0x142: {  	v53 =	vld [tilespmem:s15+$0xA200];
	v52 =	vmul.f32 v45, v44;
	v0 =	vadd.f32 v49, v0  }
0x143: {  	v54 =	vld [tilespmem:s21+$0x5780]  }
0x144: {  	v56 =	vld [tilespmem:s15+$0xA400];
	v55 =	vmul.f32 v48, v47;
	v0 =	vadd.f32 v52, v0  }
0x145: {  	v57 =	vld [tilespmem:s21+$0x6400]  }
0x146: {  	v59 =	vld [tilespmem:s15+$0xA600];
	v58 =	vmul.f32 v51, v50;
	v0 =	vadd.f32 v55, v0  }
0x147: {  	v60 =	vld [tilespmem:s21+$0x6480]  }
0x148: {  	v61 =	vmul.f32 v54, v53;
	v0 =	vadd.f32 v58, v0;
	_ =	sdelay $0x1  }
0x149: {  	v62 =	vmul.f32 v57, v56;
	v0 =	vadd.f32 v61, v0;
	_ =	sdelay $0x1  }
0x14a: {  	v63 =	vmul.f32 v60, v59;
	v0 =	vadd.f32 v62, v0;
	_ =	sdelay $0x1  }
0x14b: {  	s13 =	sadd.s32 $0x1, s13;
	v0 =	vadd.f32 v63, v0  }
0x14c: {  	p0 =	sne.s32 s13, s25  }
.Ltmp2:
0x14d: {  	[tilespmem:s14+$0x0] =	vst v0;
	(pc) =	sbr.rel @p0 .LBB2_1-.Ltmp2, $4  }
0x14e: {  	[hbm4b:s23+s3] =	stream.linear.scatter [tilespmem:s12], [sflag:$0x4], $0x200, $0x38;
	[tilespmem:$0xAA00] =	vst v63  }
0x14f: {  	_ =	swait.ge [sflag:s9], $0x200  }
0x150: {  	[sflag:s9] =	ssyncset.done $0x0  }
0x151: {  	[sflag:s9] =	ssyncadd.s32 $0xFFFFFE00  }
0x152: {  	_ =	sfence.sel $0x180000  }
0x153: {  	[bflag:$0x0] =	sbarrier.arrive $0xFFFF  }
0x154: {  	_ =	strace $0x90000047  }
0x155: {  	s0 =	stileid.u32;
	[bflag:$0x2] =	sbarrier.arrive $0xFFFF  }
0x156: {  	p0 =	sne.s32 s0, $0x0;
	s0 =	rddreg [dreg:$0x4]  }
0x157: {  	s0 =	sadd.s32 @!p0 $0x100000, s0  }
0x158: {  	[sflag:s0] =	ssyncadd.tile.s32 @!p0 $0x1;
	_ =	shalt  }
.Lfunc_end2:
_tile_overlayer_lowered:
.L_overlay_start_2:
0x159: {  	(tag) =	ssettag $0x2  }
0x15a: {  	s0 =	rddreg [dreg:$0x0];
	s2 =	stileid.u32  }
0x15b: {  	s1 =	rddreg [dreg:$0x1];
	p0 =	sne.s32 s2, $0x0  }
0x15c: {  	s3 =	rddreg [dreg:$0x2];
	[bflag:$0x3] =	sbarrier.arrive $0xFFFF;
	s2 =	simm.s32 @!p0 $0x1C04  }
0x15d: {  	[timem:s3], [sflag:s2] =	dma.local @!p0 [hbm:s0], s1  }
0x15e: {  	s0 =	simm.s32 @!p0 $0x4  }
0x15f: {  	_ =	swait.ge @!p0 [sflag:s0], s1  }
0x160: {  	s1 =	ssub.s32 @!p0 $0x0, s1;
	[sflag:s0] =	ssyncset.done @!p0 $0x0  }
0x161: {  	[sflag:s0] =	ssyncadd.s32 @!p0 s1  }
0x162: {  	[bflag:$0x3] =	sbarrier.arrive $0xFFFF  }
0x163: {  	_ =	shalt  }

</sc_bundles>
